<compile_context>
chip_gen: v7x
topology: tpu7x:2x2x1
jax: 0.10.2.dev20260603
libtpu: 0.0.44.dev20260713+nightly
codegen_flags: <defaults>
</compile_context>

<pallas_src>
import functools

import jax
import jax.numpy as jnp
from jax import lax
from jax.experimental import pallas as pl
from jax.experimental.pallas import tpu as pltpu
from jax.experimental.pallas import tpu_sc as plsc

CHUNK = 128
NBUF = 8
@functools.lru_cache(maxsize=None)
def _build(n, d):
    info = plsc.get_sparse_core_info()
    nw = info.num_cores * info.num_subcores
    assert n % nw == 0
    per_w = n // nw
    assert per_w % CHUNK == 0
    n_chunks = per_w // CHUNK
    assert n_chunks % NBUF == 0
    n_rounds = n_chunks // NBUF

    mesh = plsc.VectorSubcoreMesh(core_axis_name="c", subcore_axis_name="s")

    @functools.partial(
        pl.kernel,
        out_type=jax.ShapeDtypeStruct((n, 128), jnp.float32),
        mesh=mesh,
        scratch_types=[
            pltpu.VMEM((n_chunks, CHUNK), jnp.int32),
            [pltpu.VMEM((CHUNK, d), jnp.float32) for _ in range(NBUF)],
            [pltpu.SemaphoreType.DMA for _ in range(NBUF)],
            [pltpu.SemaphoreType.DMA for _ in range(NBUF)],
        ],
        compiler_params=pltpu.CompilerParams(use_tc_tiling_on_sc=False),
    )
    def gather_kernel(idx_hbm, table_hbm, out_hbm, idx_all, rows, gsems,
                      osems):
        wid = lax.axis_index("s") * info.num_cores + lax.axis_index("c")
        base = wid * per_w

        pltpu.sync_copy(idx_hbm.at[wid], idx_all)

        def stage(k, slot):
            pltpu.make_async_copy(table_hbm.at[idx_all.at[k]], rows[slot],
                                  gsems[slot]).start()

        def wait_gather(slot):
            pltpu.make_async_copy(table_hbm.at[idx_all.at[0]], rows[slot],
                                  gsems[slot]).wait()

        def writeback(j, slot):
            pltpu.make_async_copy(rows[slot],
                                  out_hbm.at[pl.ds(base + j * CHUNK,
                                                    CHUNK), pl.ds(0, d)],
                                  osems[slot]).start()

        def wait_writeback(slot):
            pltpu.make_async_copy(rows[slot],
                                  out_hbm.at[pl.ds(base, CHUNK), pl.ds(0, d)],
                                  osems[slot]).wait()

        for s in range(NBUF - 1):
            stage(s, s)

        def round_body(r, carry):
            j0 = r * NBUF
            for s in range(NBUF):
                j = j0 + s
                prev_slot = (s - 1) % NBUF
                @pl.when(j >= 1)
                def _():
                    wait_writeback(prev_slot)

                @pl.when(j + NBUF - 1 < n_chunks)
                def _():
                    stage(j + NBUF - 1, prev_slot)

                wait_gather(s)
                writeback(j, s)
            return carry

        lax.fori_loop(0, n_rounds, round_body, 0)
        wait_writeback((n_chunks - 1) % NBUF)

    return gather_kernel


def kernel(words, word_embed_table):
    b, s = words.shape
    _, d = word_embed_table.shape
    n = b * s
    info = plsc.get_sparse_core_info()
    nw = info.num_cores * info.num_subcores
    per_w = n // nw
    idx3 = words.reshape(nw, per_w // CHUNK, CHUNK).astype(jnp.int32)
    n_words = word_embed_table.shape[0]
    out = _build(n, d)(idx3, word_embed_table)
    return out[:, :d].reshape(b, s, d)

# --- scband reference (transcript-rebuilt; emitter-appended) ---
"""Pipeline reference for scband-model-12154757447879 (READ-ONLY COPY).

The authoritative reference and input builder live on the scoring server;
editing this copy changes nothing except your own understanding.
"""

import jax, jax.numpy as jnp
import numpy as np

N_WORDS = 1000000
N_EMBED = 64
BATCH = 4096
SEQ = 200

def setup_inputs(seed: int = 0) -> dict:
    key = jax.random.key(seed)
    k_words, k_table = jax.random.split(key)
    words = jax.random.randint(k_words, (BATCH, SEQ), 0, N_WORDS, dtype=jnp.int64 if jax.config.jax_enable_x64 else jnp.int32)
    word_embed_table = jax.random.normal(k_table, (N_WORDS, N_EMBED), dtype=jnp.float32) * 0.02
    return {"words": words, "word_embed_table": word_embed_table}

def reference(words, word_embed_table):
    # Faithful translation of Model.word_embedding: no `pretrained` attribute is set
    # (load_pretrained never called), so ext_words == words and the forward path is
    # a plain nn.Embedding lookup: word_embed = self.word_embed(ext_words).
    ext_words = words
    word_embed = jnp.take(word_embed_table, ext_words, axis=0)
    return word_embed

if __name__ == "__main__":
    import jax
    _d = setup_inputs()
    print(jax.jit(kernel)(*tuple(_d.values())))

</pallas_src>

<mosaic_0001>
#map = affine_map<(d0, d1) -> (0, 0, 0)>
#map1 = affine_map<(d0, d1) -> (0, 0)>
module attributes {stable_mosaic.version = 14 : i64} {
  func.func @gather_kernel(%arg0: i32, %arg1: i32, %arg2: memref<32x200x128xi32, #tpu.memory_space<hbm>>, %arg3: memref<1000000x64xf32, #tpu.memory_space<hbm>>, %arg4: memref<819200x128xf32, #tpu.memory_space<hbm>>, %arg5: memref<200x128xi32, #tpu.memory_space<vmem>>, %arg6: memref<128x64xf32, #tpu.memory_space<vmem>>, %arg7: memref<128x64xf32, #tpu.memory_space<vmem>>, %arg8: memref<128x64xf32, #tpu.memory_space<vmem>>, %arg9: memref<128x64xf32, #tpu.memory_space<vmem>>, %arg10: memref<128x64xf32, #tpu.memory_space<vmem>>, %arg11: memref<128x64xf32, #tpu.memory_space<vmem>>, %arg12: memref<128x64xf32, #tpu.memory_space<vmem>>, %arg13: memref<128x64xf32, #tpu.memory_space<vmem>>, %arg14: memref<!tpu.dma_semaphore, #tpu.memory_space<semaphore_mem>>, %arg15: memref<!tpu.dma_semaphore, #tpu.memory_space<semaphore_mem>>, %arg16: memref<!tpu.dma_semaphore, #tpu.memory_space<semaphore_mem>>, %arg17: memref<!tpu.dma_semaphore, #tpu.memory_space<semaphore_mem>>, %arg18: memref<!tpu.dma_semaphore, #tpu.memory_space<semaphore_mem>>, %arg19: memref<!tpu.dma_semaphore, #tpu.memory_space<semaphore_mem>>, %arg20: memref<!tpu.dma_semaphore, #tpu.memory_space<semaphore_mem>>, %arg21: memref<!tpu.dma_semaphore, #tpu.memory_space<semaphore_mem>>, %arg22: memref<!tpu.dma_semaphore, #tpu.memory_space<semaphore_mem>>, %arg23: memref<!tpu.dma_semaphore, #tpu.memory_space<semaphore_mem>>, %arg24: memref<!tpu.dma_semaphore, #tpu.memory_space<semaphore_mem>>, %arg25: memref<!tpu.dma_semaphore, #tpu.memory_space<semaphore_mem>>, %arg26: memref<!tpu.dma_semaphore, #tpu.memory_space<semaphore_mem>>, %arg27: memref<!tpu.dma_semaphore, #tpu.memory_space<semaphore_mem>>, %arg28: memref<!tpu.dma_semaphore, #tpu.memory_space<semaphore_mem>>, %arg29: memref<!tpu.dma_semaphore, #tpu.memory_space<semaphore_mem>>) attributes {dimension_semantics = [#tpu.dimension_semantics<core_parallel>, #tpu.dimension_semantics<subcore_parallel>], iteration_bounds = array<i64: 2, 16>, scalar_prefetch = 0 : i64, scratch_operands = 25 : i64, tpu.core_type = #tpu.core_type<sc_vector_subcore>, window_params = [{transform_indices = #map}, {transform_indices = #map1}, {transform_indices = #map1}]} {
    %mul3A = arith.constant 2 : i32
    %mul3A_0 = arith.muli %arg1, %mul3A : i32
    %add3A = arith.addi %mul3A_0, %arg0 : i32
    %mul3A_1 = arith.constant 25600 : i32
    %mul3A_2 = arith.muli %add3A, %mul3A_1 : i32
    "tpu.region"() ({
      %run_scoped3A = tpu.sem_alloc : memref<!tpu.dma_semaphore, #tpu.memory_space<semaphore_mem>>
      %dma_start3A_59 = arith.constant 0 : i32
      %dma_start3A_60 = arith.constant 0 : i32
      %dma_start3A_61 = tpu.memref_slice %arg2[%add3A, %dma_start3A_59, %dma_start3A_60] : memref<32x200x128xi32, #tpu.memory_space<hbm>> -> memref<1x200x128xi32, #tpu.memory_space<hbm>>
      %dma_start3A_62 = tpu.memref_squeeze %dma_start3A_61 : memref<1x200x128xi32, #tpu.memory_space<hbm>> -> memref<200x128xi32, #tpu.memory_space<hbm>>
      %dma_start3A_63 = arith.constant 0 : i32
      %dma_start3A_64 = arith.constant 0 : i32
      %dma_start3A_65 = tpu.memref_slice %arg2[%add3A, %dma_start3A_63, %dma_start3A_64] : memref<32x200x128xi32, #tpu.memory_space<hbm>> -> memref<1x200x128xi32, #tpu.memory_space<hbm>>
      %dma_start3A_66 = tpu.memref_squeeze %dma_start3A_65 : memref<1x200x128xi32, #tpu.memory_space<hbm>> -> memref<200x128xi32, #tpu.memory_space<hbm>>
      tpu.enqueue_dma source(%dma_start3A_66 : memref<200x128xi32, #tpu.memory_space<hbm>>) target(%arg5 : memref<200x128xi32, #tpu.memory_space<vmem>>) target_semaphore(%run_scoped3A : memref<!tpu.dma_semaphore, #tpu.memory_space<semaphore_mem>>)
      %dma_wait3A_67 = arith.constant 0 : i32
      %dma_wait3A_68 = arith.constant 0 : i32
      %dma_wait3A_69 = tpu.memref_slice %arg2[%add3A, %dma_wait3A_67, %dma_wait3A_68] : memref<32x200x128xi32, #tpu.memory_space<hbm>> -> memref<1x200x128xi32, #tpu.memory_space<hbm>>
      %dma_wait3A_70 = tpu.memref_squeeze %dma_wait3A_69 : memref<1x200x128xi32, #tpu.memory_space<hbm>> -> memref<200x128xi32, #tpu.memory_space<hbm>>
      %dma_wait3A_71 = arith.constant 0 : i32
      %dma_wait3A_72 = arith.constant 0 : i32
      %dma_wait3A_73 = tpu.memref_slice %arg2[%add3A, %dma_wait3A_71, %dma_wait3A_72] : memref<32x200x128xi32, #tpu.memory_space<hbm>> -> memref<1x200x128xi32, #tpu.memory_space<hbm>>
      %dma_wait3A_74 = tpu.memref_squeeze %dma_wait3A_73 : memref<1x200x128xi32, #tpu.memory_space<hbm>> -> memref<200x128xi32, #tpu.memory_space<hbm>>
      tpu.wait_dma2 semaphore(%run_scoped3A : memref<!tpu.dma_semaphore, #tpu.memory_space<semaphore_mem>>) src(%dma_wait3A_74 : memref<200x128xi32, #tpu.memory_space<hbm>>) dst(%arg5 : memref<200x128xi32, #tpu.memory_space<vmem>>)
      tpu.yield
    }) : () -> ()
    %dma_start3A = arith.constant 0 : i32
    %dma_start3A_3 = arith.constant 0 : i32
    %dma_start3A_4 = tpu.memref_slice %arg5[%dma_start3A, %dma_start3A_3] : memref<200x128xi32, #tpu.memory_space<vmem>> -> memref<1x128xi32, #tpu.memory_space<vmem>>
    %dma_start3A_5 = tpu.memref_squeeze %dma_start3A_4 : memref<1x128xi32, #tpu.memory_space<vmem>> -> memref<128xi32, #tpu.memory_space<vmem>>
    %dma_start3A_6 = arith.constant 0 : i32
    %dma_start3A_7 = arith.constant 0 : i32
    %dma_start3A_8 = tpu.memref_slice %arg3[%dma_start3A_6, %dma_start3A_7] : memref<1000000x64xf32, #tpu.memory_space<hbm>> -> memref<1000000x64xf32, #tpu.memory_space<hbm>>
    tpu.enqueue_indirect_dma source(%dma_start3A_8 : memref<1000000x64xf32, #tpu.memory_space<hbm>>) target(%arg6 : memref<128x64xf32, #tpu.memory_space<vmem>>) offsets(%dma_start3A_5 : memref<128xi32, #tpu.memory_space<vmem>>) semaphore(%arg14 : memref<!tpu.dma_semaphore, #tpu.memory_space<semaphore_mem>>)
    %dma_start3A_9 = arith.constant 1 : i32
    %dma_start3A_10 = arith.constant 0 : i32
    %dma_start3A_11 = tpu.memref_slice %arg5[%dma_start3A_9, %dma_start3A_10] : memref<200x128xi32, #tpu.memory_space<vmem>> -> memref<1x128xi32, #tpu.memory_space<vmem>>
    %dma_start3A_12 = tpu.memref_squeeze %dma_start3A_11 : memref<1x128xi32, #tpu.memory_space<vmem>> -> memref<128xi32, #tpu.memory_space<vmem>>
    %dma_start3A_13 = arith.constant 0 : i32
    %dma_start3A_14 = arith.constant 0 : i32
    %dma_start3A_15 = tpu.memref_slice %arg3[%dma_start3A_13, %dma_start3A_14] : memref<1000000x64xf32, #tpu.memory_space<hbm>> -> memref<1000000x64xf32, #tpu.memory_space<hbm>>
    tpu.enqueue_indirect_dma source(%dma_start3A_15 : memref<1000000x64xf32, #tpu.memory_space<hbm>>) target(%arg7 : memref<128x64xf32, #tpu.memory_space<vmem>>) offsets(%dma_start3A_12 : memref<128xi32, #tpu.memory_space<vmem>>) semaphore(%arg15 : memref<!tpu.dma_semaphore, #tpu.memory_space<semaphore_mem>>)
    %dma_start3A_16 = arith.constant 2 : i32
    %dma_start3A_17 = arith.constant 0 : i32
    %dma_start3A_18 = tpu.memref_slice %arg5[%dma_start3A_16, %dma_start3A_17] : memref<200x128xi32, #tpu.memory_space<vmem>> -> memref<1x128xi32, #tpu.memory_space<vmem>>
    %dma_start3A_19 = tpu.memref_squeeze %dma_start3A_18 : memref<1x128xi32, #tpu.memory_space<vmem>> -> memref<128xi32, #tpu.memory_space<vmem>>
    %dma_start3A_20 = arith.constant 0 : i32
    %dma_start3A_21 = arith.constant 0 : i32
    %dma_start3A_22 = tpu.memref_slice %arg3[%dma_start3A_20, %dma_start3A_21] : memref<1000000x64xf32, #tpu.memory_space<hbm>> -> memref<1000000x64xf32, #tpu.memory_space<hbm>>
    tpu.enqueue_indirect_dma source(%dma_start3A_22 : memref<1000000x64xf32, #tpu.memory_space<hbm>>) target(%arg8 : memref<128x64xf32, #tpu.memory_space<vmem>>) offsets(%dma_start3A_19 : memref<128xi32, #tpu.memory_space<vmem>>) semaphore(%arg16 : memref<!tpu.dma_semaphore, #tpu.memory_space<semaphore_mem>>)
    %dma_start3A_23 = arith.constant 3 : i32
    %dma_start3A_24 = arith.constant 0 : i32
    %dma_start3A_25 = tpu.memref_slice %arg5[%dma_start3A_23, %dma_start3A_24] : memref<200x128xi32, #tpu.memory_space<vmem>> -> memref<1x128xi32, #tpu.memory_space<vmem>>
    %dma_start3A_26 = tpu.memref_squeeze %dma_start3A_25 : memref<1x128xi32, #tpu.memory_space<vmem>> -> memref<128xi32, #tpu.memory_space<vmem>>
    %dma_start3A_27 = arith.constant 0 : i32
    %dma_start3A_28 = arith.constant 0 : i32
    %dma_start3A_29 = tpu.memref_slice %arg3[%dma_start3A_27, %dma_start3A_28] : memref<1000000x64xf32, #tpu.memory_space<hbm>> -> memref<1000000x64xf32, #tpu.memory_space<hbm>>
    tpu.enqueue_indirect_dma source(%dma_start3A_29 : memref<1000000x64xf32, #tpu.memory_space<hbm>>) target(%arg9 : memref<128x64xf32, #tpu.memory_space<vmem>>) offsets(%dma_start3A_26 : memref<128xi32, #tpu.memory_space<vmem>>) semaphore(%arg17 : memref<!tpu.dma_semaphore, #tpu.memory_space<semaphore_mem>>)
    %dma_start3A_30 = arith.constant 4 : i32
    %dma_start3A_31 = arith.constant 0 : i32
    %dma_start3A_32 = tpu.memref_slice %arg5[%dma_start3A_30, %dma_start3A_31] : memref<200x128xi32, #tpu.memory_space<vmem>> -> memref<1x128xi32, #tpu.memory_space<vmem>>
    %dma_start3A_33 = tpu.memref_squeeze %dma_start3A_32 : memref<1x128xi32, #tpu.memory_space<vmem>> -> memref<128xi32, #tpu.memory_space<vmem>>
    %dma_start3A_34 = arith.constant 0 : i32
    %dma_start3A_35 = arith.constant 0 : i32
    %dma_start3A_36 = tpu.memref_slice %arg3[%dma_start3A_34, %dma_start3A_35] : memref<1000000x64xf32, #tpu.memory_space<hbm>> -> memref<1000000x64xf32, #tpu.memory_space<hbm>>
    tpu.enqueue_indirect_dma source(%dma_start3A_36 : memref<1000000x64xf32, #tpu.memory_space<hbm>>) target(%arg10 : memref<128x64xf32, #tpu.memory_space<vmem>>) offsets(%dma_start3A_33 : memref<128xi32, #tpu.memory_space<vmem>>) semaphore(%arg18 : memref<!tpu.dma_semaphore, #tpu.memory_space<semaphore_mem>>)
    %dma_start3A_37 = arith.constant 5 : i32
    %dma_start3A_38 = arith.constant 0 : i32
    %dma_start3A_39 = tpu.memref_slice %arg5[%dma_start3A_37, %dma_start3A_38] : memref<200x128xi32, #tpu.memory_space<vmem>> -> memref<1x128xi32, #tpu.memory_space<vmem>>
    %dma_start3A_40 = tpu.memref_squeeze %dma_start3A_39 : memref<1x128xi32, #tpu.memory_space<vmem>> -> memref<128xi32, #tpu.memory_space<vmem>>
    %dma_start3A_41 = arith.constant 0 : i32
    %dma_start3A_42 = arith.constant 0 : i32
    %dma_start3A_43 = tpu.memref_slice %arg3[%dma_start3A_41, %dma_start3A_42] : memref<1000000x64xf32, #tpu.memory_space<hbm>> -> memref<1000000x64xf32, #tpu.memory_space<hbm>>
    tpu.enqueue_indirect_dma source(%dma_start3A_43 : memref<1000000x64xf32, #tpu.memory_space<hbm>>) target(%arg11 : memref<128x64xf32, #tpu.memory_space<vmem>>) offsets(%dma_start3A_40 : memref<128xi32, #tpu.memory_space<vmem>>) semaphore(%arg19 : memref<!tpu.dma_semaphore, #tpu.memory_space<semaphore_mem>>)
    %dma_start3A_44 = arith.constant 6 : i32
    %dma_start3A_45 = arith.constant 0 : i32
    %dma_start3A_46 = tpu.memref_slice %arg5[%dma_start3A_44, %dma_start3A_45] : memref<200x128xi32, #tpu.memory_space<vmem>> -> memref<1x128xi32, #tpu.memory_space<vmem>>
    %dma_start3A_47 = tpu.memref_squeeze %dma_start3A_46 : memref<1x128xi32, #tpu.memory_space<vmem>> -> memref<128xi32, #tpu.memory_space<vmem>>
    %dma_start3A_48 = arith.constant 0 : i32
    %dma_start3A_49 = arith.constant 0 : i32
    %dma_start3A_50 = tpu.memref_slice %arg3[%dma_start3A_48, %dma_start3A_49] : memref<1000000x64xf32, #tpu.memory_space<hbm>> -> memref<1000000x64xf32, #tpu.memory_space<hbm>>
    tpu.enqueue_indirect_dma source(%dma_start3A_50 : memref<1000000x64xf32, #tpu.memory_space<hbm>>) target(%arg12 : memref<128x64xf32, #tpu.memory_space<vmem>>) offsets(%dma_start3A_47 : memref<128xi32, #tpu.memory_space<vmem>>) semaphore(%arg20 : memref<!tpu.dma_semaphore, #tpu.memory_space<semaphore_mem>>)
    %scan3A = arith.constant 0 : i32
    %scan3A_51 = arith.constant 0 : i32
    %scan3A_52 = arith.constant 25 : i32
    %scan3A_53 = arith.addi %scan3A_51, %scan3A_52 : i32
    %scan3A_54 = arith.constant 1 : i32
    scf.for %scan3A_59 = %scan3A_51 to %scan3A_53 step %scan3A_54  : i32 {
      %mul3A_60 = arith.constant 8 : i32
      %mul3A_61 = arith.muli %scan3A_59, %mul3A_60 : i32
      %add3A_62 = arith.constant 0 : i32
      %add3A_63 = arith.addi %mul3A_61, %add3A_62 : i32
      %ge3A = arith.constant 1 : i32
      %ge3A_64 = arith.cmpi sge, %add3A_63, %ge3A : i32
      %convert_element_type3A = arith.extui %ge3A_64 : i1 to i32
      %cond3A = arith.constant 0 : i32
      %cond3A_65 = arith.cmpi ne, %convert_element_type3A, %cond3A : i32
      scf.if %cond3A_65 {
        %dma_wait3A_297 = arith.constant 0 : i32
        %dma_wait3A_298 = tpu.memref_slice %arg4[%mul3A_2, %dma_wait3A_297] : memref<819200x128xf32, #tpu.memory_space<hbm>> -> memref<128x64xf32, #tpu.memory_space<hbm>>
        %dma_wait3A_299 = arith.constant 0 : i32
        %dma_wait3A_300 = tpu.memref_slice %arg4[%mul3A_2, %dma_wait3A_299] : memref<819200x128xf32, #tpu.memory_space<hbm>> -> memref<128x64xf32, #tpu.memory_space<hbm>>
        tpu.wait_dma2 semaphore(%arg29 : memref<!tpu.dma_semaphore, #tpu.memory_space<semaphore_mem>>) src(%arg13 : memref<128x64xf32, #tpu.memory_space<vmem>>) dst(%dma_wait3A_300 : memref<128x64xf32, #tpu.memory_space<hbm>>)
      } else {
      }
      %add3A_66 = arith.constant 8 : i32
      %add3A_67 = arith.addi %add3A_63, %add3A_66 : i32
      %sub3A = arith.constant 1 : i32
      %sub3A_68 = arith.subi %add3A_67, %sub3A : i32
      %lt3A = arith.constant 200 : i32
      %lt3A_69 = arith.cmpi slt, %sub3A_68, %lt3A : i32
      %convert_element_type3A_70 = arith.extui %lt3A_69 : i1 to i32
      %cond3A_71 = arith.constant 0 : i32
      %cond3A_72 = arith.cmpi ne, %convert_element_type3A_70, %cond3A_71 : i32
      scf.if %cond3A_72 {
        %add3A_297 = arith.constant 8 : i32
        %add3A_298 = arith.addi %add3A_63, %add3A_297 : i32
        %sub3A_299 = arith.constant 1 : i32
        %sub3A_300 = arith.subi %add3A_298, %sub3A_299 : i32
        %dma_start3A_301 = arith.constant 0 : i32
        %dma_start3A_302 = tpu.memref_slice %arg5[%sub3A_300, %dma_start3A_301] : memref<200x128xi32, #tpu.memory_space<vmem>> -> memref<1x128xi32, #tpu.memory_space<vmem>>
        %dma_start3A_303 = tpu.memref_squeeze %dma_start3A_302 : memref<1x128xi32, #tpu.memory_space<vmem>> -> memref<128xi32, #tpu.memory_space<vmem>>
        %dma_start3A_304 = arith.constant 0 : i32
        %dma_start3A_305 = arith.constant 0 : i32
        %dma_start3A_306 = tpu.memref_slice %arg3[%dma_start3A_304, %dma_start3A_305] : memref<1000000x64xf32, #tpu.memory_space<hbm>> -> memref<1000000x64xf32, #tpu.memory_space<hbm>>
        tpu.enqueue_indirect_dma source(%dma_start3A_306 : memref<1000000x64xf32, #tpu.memory_space<hbm>>) target(%arg13 : memref<128x64xf32, #tpu.memory_space<vmem>>) offsets(%dma_start3A_303 : memref<128xi32, #tpu.memory_space<vmem>>) semaphore(%arg21 : memref<!tpu.dma_semaphore, #tpu.memory_space<semaphore_mem>>)
      } else {
      }
      %dma_wait3A_73 = arith.constant 0 : i32
      %dma_wait3A_74 = arith.constant 0 : i32
      %dma_wait3A_75 = tpu.memref_slice %arg5[%dma_wait3A_73, %dma_wait3A_74] : memref<200x128xi32, #tpu.memory_space<vmem>> -> memref<1x128xi32, #tpu.memory_space<vmem>>
      %dma_wait3A_76 = tpu.memref_squeeze %dma_wait3A_75 : memref<1x128xi32, #tpu.memory_space<vmem>> -> memref<128xi32, #tpu.memory_space<vmem>>
      %dma_wait3A_77 = arith.constant 0 : i32
      %dma_wait3A_78 = arith.constant 0 : i32
      %dma_wait3A_79 = tpu.memref_slice %arg3[%dma_wait3A_77, %dma_wait3A_78] : memref<1000000x64xf32, #tpu.memory_space<hbm>> -> memref<1000000x64xf32, #tpu.memory_space<hbm>>
      tpu.wait_indirect_dma semaphore(%arg14 : memref<!tpu.dma_semaphore, #tpu.memory_space<semaphore_mem>>) src(%dma_wait3A_79 : memref<1000000x64xf32, #tpu.memory_space<hbm>>) dst(%arg6 : memref<128x64xf32, #tpu.memory_space<vmem>>)
      %mul3A_80 = arith.constant 128 : i32
      %mul3A_81 = arith.muli %add3A_63, %mul3A_80 : i32
      %add3A_82 = arith.addi %mul3A_2, %mul3A_81 : i32
      %dma_start3A_83 = arith.constant 0 : i32
      %dma_start3A_84 = tpu.memref_slice %arg4[%add3A_82, %dma_start3A_83] : memref<819200x128xf32, #tpu.memory_space<hbm>> -> memref<128x64xf32, #tpu.memory_space<hbm>>
      %dma_start3A_85 = arith.constant 0 : i32
      %dma_start3A_86 = tpu.memref_slice %arg4[%add3A_82, %dma_start3A_85] : memref<819200x128xf32, #tpu.memory_space<hbm>> -> memref<128x64xf32, #tpu.memory_space<hbm>>
      tpu.enqueue_dma source(%arg6 : memref<128x64xf32, #tpu.memory_space<vmem>>) target(%dma_start3A_86 : memref<128x64xf32, #tpu.memory_space<hbm>>) target_semaphore(%arg22 : memref<!tpu.dma_semaphore, #tpu.memory_space<semaphore_mem>>)
      %add3A_87 = arith.constant 1 : i32
      %add3A_88 = arith.addi %mul3A_61, %add3A_87 : i32
      %ge3A_89 = arith.constant 1 : i32
      %ge3A_90 = arith.cmpi sge, %add3A_88, %ge3A_89 : i32
      %convert_element_type3A_91 = arith.extui %ge3A_90 : i1 to i32
      %cond3A_92 = arith.constant 0 : i32
      %cond3A_93 = arith.cmpi ne, %convert_element_type3A_91, %cond3A_92 : i32
      scf.if %cond3A_93 {
        %dma_wait3A_297 = arith.constant 0 : i32
        %dma_wait3A_298 = tpu.memref_slice %arg4[%mul3A_2, %dma_wait3A_297] : memref<819200x128xf32, #tpu.memory_space<hbm>> -> memref<128x64xf32, #tpu.memory_space<hbm>>
        %dma_wait3A_299 = arith.constant 0 : i32
        %dma_wait3A_300 = tpu.memref_slice %arg4[%mul3A_2, %dma_wait3A_299] : memref<819200x128xf32, #tpu.memory_space<hbm>> -> memref<128x64xf32, #tpu.memory_space<hbm>>
        tpu.wait_dma2 semaphore(%arg22 : memref<!tpu.dma_semaphore, #tpu.memory_space<semaphore_mem>>) src(%arg6 : memref<128x64xf32, #tpu.memory_space<vmem>>) dst(%dma_wait3A_300 : memref<128x64xf32, #tpu.memory_space<hbm>>)
      } else {
      }
      %add3A_94 = arith.constant 8 : i32
      %add3A_95 = arith.addi %add3A_88, %add3A_94 : i32
      %sub3A_96 = arith.constant 1 : i32
      %sub3A_97 = arith.subi %add3A_95, %sub3A_96 : i32
      %lt3A_98 = arith.constant 200 : i32
      %lt3A_99 = arith.cmpi slt, %sub3A_97, %lt3A_98 : i32
      %convert_element_type3A_100 = arith.extui %lt3A_99 : i1 to i32
      %cond3A_101 = arith.constant 0 : i32
      %cond3A_102 = arith.cmpi ne, %convert_element_type3A_100, %cond3A_101 : i32
      scf.if %cond3A_102 {
        %add3A_297 = arith.constant 8 : i32
        %add3A_298 = arith.addi %add3A_88, %add3A_297 : i32
        %sub3A_299 = arith.constant 1 : i32
        %sub3A_300 = arith.subi %add3A_298, %sub3A_299 : i32
        %dma_start3A_301 = arith.constant 0 : i32
        %dma_start3A_302 = tpu.memref_slice %arg5[%sub3A_300, %dma_start3A_301] : memref<200x128xi32, #tpu.memory_space<vmem>> -> memref<1x128xi32, #tpu.memory_space<vmem>>
        %dma_start3A_303 = tpu.memref_squeeze %dma_start3A_302 : memref<1x128xi32, #tpu.memory_space<vmem>> -> memref<128xi32, #tpu.memory_space<vmem>>
        %dma_start3A_304 = arith.constant 0 : i32
        %dma_start3A_305 = arith.constant 0 : i32
        %dma_start3A_306 = tpu.memref_slice %arg3[%dma_start3A_304, %dma_start3A_305] : memref<1000000x64xf32, #tpu.memory_space<hbm>> -> memref<1000000x64xf32, #tpu.memory_space<hbm>>
        tpu.enqueue_indirect_dma source(%dma_start3A_306 : memref<1000000x64xf32, #tpu.memory_space<hbm>>) target(%arg6 : memref<128x64xf32, #tpu.memory_space<vmem>>) offsets(%dma_start3A_303 : memref<128xi32, #tpu.memory_space<vmem>>) semaphore(%arg14 : memref<!tpu.dma_semaphore, #tpu.memory_space<semaphore_mem>>)
      } else {
      }
      %dma_wait3A_103 = arith.constant 0 : i32
      %dma_wait3A_104 = arith.constant 0 : i32
      %dma_wait3A_105 = tpu.memref_slice %arg5[%dma_wait3A_103, %dma_wait3A_104] : memref<200x128xi32, #tpu.memory_space<vmem>> -> memref<1x128xi32, #tpu.memory_space<vmem>>
      %dma_wait3A_106 = tpu.memref_squeeze %dma_wait3A_105 : memref<1x128xi32, #tpu.memory_space<vmem>> -> memref<128xi32, #tpu.memory_space<vmem>>
      %dma_wait3A_107 = arith.constant 0 : i32
      %dma_wait3A_108 = arith.constant 0 : i32
      %dma_wait3A_109 = tpu.memref_slice %arg3[%dma_wait3A_107, %dma_wait3A_108] : memref<1000000x64xf32, #tpu.memory_space<hbm>> -> memref<1000000x64xf32, #tpu.memory_space<hbm>>
      tpu.wait_indirect_dma semaphore(%arg15 : memref<!tpu.dma_semaphore, #tpu.memory_space<semaphore_mem>>) src(%dma_wait3A_109 : memref<1000000x64xf32, #tpu.memory_space<hbm>>) dst(%arg7 : memref<128x64xf32, #tpu.memory_space<vmem>>)
      %mul3A_110 = arith.constant 128 : i32
      %mul3A_111 = arith.muli %add3A_88, %mul3A_110 : i32
      %add3A_112 = arith.addi %mul3A_2, %mul3A_111 : i32
      %dma_start3A_113 = arith.constant 0 : i32
      %dma_start3A_114 = tpu.memref_slice %arg4[%add3A_112, %dma_start3A_113] : memref<819200x128xf32, #tpu.memory_space<hbm>> -> memref<128x64xf32, #tpu.memory_space<hbm>>
      %dma_start3A_115 = arith.constant 0 : i32
      %dma_start3A_116 = tpu.memref_slice %arg4[%add3A_112, %dma_start3A_115] : memref<819200x128xf32, #tpu.memory_space<hbm>> -> memref<128x64xf32, #tpu.memory_space<hbm>>
      tpu.enqueue_dma source(%arg7 : memref<128x64xf32, #tpu.memory_space<vmem>>) target(%dma_start3A_116 : memref<128x64xf32, #tpu.memory_space<hbm>>) target_semaphore(%arg23 : memref<!tpu.dma_semaphore, #tpu.memory_space<semaphore_mem>>)
      %add3A_117 = arith.constant 2 : i32
      %add3A_118 = arith.addi %mul3A_61, %add3A_117 : i32
      %ge3A_119 = arith.constant 1 : i32
      %ge3A_120 = arith.cmpi sge, %add3A_118, %ge3A_119 : i32
      %convert_element_type3A_121 = arith.extui %ge3A_120 : i1 to i32
      %cond3A_122 = arith.constant 0 : i32
      %cond3A_123 = arith.cmpi ne, %convert_element_type3A_121, %cond3A_122 : i32
      scf.if %cond3A_123 {
        %dma_wait3A_297 = arith.constant 0 : i32
        %dma_wait3A_298 = tpu.memref_slice %arg4[%mul3A_2, %dma_wait3A_297] : memref<819200x128xf32, #tpu.memory_space<hbm>> -> memref<128x64xf32, #tpu.memory_space<hbm>>
        %dma_wait3A_299 = arith.constant 0 : i32
        %dma_wait3A_300 = tpu.memref_slice %arg4[%mul3A_2, %dma_wait3A_299] : memref<819200x128xf32, #tpu.memory_space<hbm>> -> memref<128x64xf32, #tpu.memory_space<hbm>>
        tpu.wait_dma2 semaphore(%arg23 : memref<!tpu.dma_semaphore, #tpu.memory_space<semaphore_mem>>) src(%arg7 : memref<128x64xf32, #tpu.memory_space<vmem>>) dst(%dma_wait3A_300 : memref<128x64xf32, #tpu.memory_space<hbm>>)
      } else {
      }
      %add3A_124 = arith.constant 8 : i32
      %add3A_125 = arith.addi %add3A_118, %add3A_124 : i32
      %sub3A_126 = arith.constant 1 : i32
      %sub3A_127 = arith.subi %add3A_125, %sub3A_126 : i32
      %lt3A_128 = arith.constant 200 : i32
      %lt3A_129 = arith.cmpi slt, %sub3A_127, %lt3A_128 : i32
      %convert_element_type3A_130 = arith.extui %lt3A_129 : i1 to i32
      %cond3A_131 = arith.constant 0 : i32
      %cond3A_132 = arith.cmpi ne, %convert_element_type3A_130, %cond3A_131 : i32
      scf.if %cond3A_132 {
        %add3A_297 = arith.constant 8 : i32
        %add3A_298 = arith.addi %add3A_118, %add3A_297 : i32
        %sub3A_299 = arith.constant 1 : i32
        %sub3A_300 = arith.subi %add3A_298, %sub3A_299 : i32
        %dma_start3A_301 = arith.constant 0 : i32
        %dma_start3A_302 = tpu.memref_slice %arg5[%sub3A_300, %dma_start3A_301] : memref<200x128xi32, #tpu.memory_space<vmem>> -> memref<1x128xi32, #tpu.memory_space<vmem>>
        %dma_start3A_303 = tpu.memref_squeeze %dma_start3A_302 : memref<1x128xi32, #tpu.memory_space<vmem>> -> memref<128xi32, #tpu.memory_space<vmem>>
        %dma_start3A_304 = arith.constant 0 : i32
        %dma_start3A_305 = arith.constant 0 : i32
        %dma_start3A_306 = tpu.memref_slice %arg3[%dma_start3A_304, %dma_start3A_305] : memref<1000000x64xf32, #tpu.memory_space<hbm>> -> memref<1000000x64xf32, #tpu.memory_space<hbm>>
        tpu.enqueue_indirect_dma source(%dma_start3A_306 : memref<1000000x64xf32, #tpu.memory_space<hbm>>) target(%arg7 : memref<128x64xf32, #tpu.memory_space<vmem>>) offsets(%dma_start3A_303 : memref<128xi32, #tpu.memory_space<vmem>>) semaphore(%arg15 : memref<!tpu.dma_semaphore, #tpu.memory_space<semaphore_mem>>)
      } else {
      }
      %dma_wait3A_133 = arith.constant 0 : i32
      %dma_wait3A_134 = arith.constant 0 : i32
      %dma_wait3A_135 = tpu.memref_slice %arg5[%dma_wait3A_133, %dma_wait3A_134] : memref<200x128xi32, #tpu.memory_space<vmem>> -> memref<1x128xi32, #tpu.memory_space<vmem>>
      %dma_wait3A_136 = tpu.memref_squeeze %dma_wait3A_135 : memref<1x128xi32, #tpu.memory_space<vmem>> -> memref<128xi32, #tpu.memory_space<vmem>>
      %dma_wait3A_137 = arith.constant 0 : i32
      %dma_wait3A_138 = arith.constant 0 : i32
      %dma_wait3A_139 = tpu.memref_slice %arg3[%dma_wait3A_137, %dma_wait3A_138] : memref<1000000x64xf32, #tpu.memory_space<hbm>> -> memref<1000000x64xf32, #tpu.memory_space<hbm>>
      tpu.wait_indirect_dma semaphore(%arg16 : memref<!tpu.dma_semaphore, #tpu.memory_space<semaphore_mem>>) src(%dma_wait3A_139 : memref<1000000x64xf32, #tpu.memory_space<hbm>>) dst(%arg8 : memref<128x64xf32, #tpu.memory_space<vmem>>)
      %mul3A_140 = arith.constant 128 : i32
      %mul3A_141 = arith.muli %add3A_118, %mul3A_140 : i32
      %add3A_142 = arith.addi %mul3A_2, %mul3A_141 : i32
      %dma_start3A_143 = arith.constant 0 : i32
      %dma_start3A_144 = tpu.memref_slice %arg4[%add3A_142, %dma_start3A_143] : memref<819200x128xf32, #tpu.memory_space<hbm>> -> memref<128x64xf32, #tpu.memory_space<hbm>>
      %dma_start3A_145 = arith.constant 0 : i32
      %dma_start3A_146 = tpu.memref_slice %arg4[%add3A_142, %dma_start3A_145] : memref<819200x128xf32, #tpu.memory_space<hbm>> -> memref<128x64xf32, #tpu.memory_space<hbm>>
      tpu.enqueue_dma source(%arg8 : memref<128x64xf32, #tpu.memory_space<vmem>>) target(%dma_start3A_146 : memref<128x64xf32, #tpu.memory_space<hbm>>) target_semaphore(%arg24 : memref<!tpu.dma_semaphore, #tpu.memory_space<semaphore_mem>>)
      %add3A_147 = arith.constant 3 : i32
      %add3A_148 = arith.addi %mul3A_61, %add3A_147 : i32
      %ge3A_149 = arith.constant 1 : i32
      %ge3A_150 = arith.cmpi sge, %add3A_148, %ge3A_149 : i32
      %convert_element_type3A_151 = arith.extui %ge3A_150 : i1 to i32
      %cond3A_152 = arith.constant 0 : i32
      %cond3A_153 = arith.cmpi ne, %convert_element_type3A_151, %cond3A_152 : i32
      scf.if %cond3A_153 {
        %dma_wait3A_297 = arith.constant 0 : i32
        %dma_wait3A_298 = tpu.memref_slice %arg4[%mul3A_2, %dma_wait3A_297] : memref<819200x128xf32, #tpu.memory_space<hbm>> -> memref<128x64xf32, #tpu.memory_space<hbm>>
        %dma_wait3A_299 = arith.constant 0 : i32
        %dma_wait3A_300 = tpu.memref_slice %arg4[%mul3A_2, %dma_wait3A_299] : memref<819200x128xf32, #tpu.memory_space<hbm>> -> memref<128x64xf32, #tpu.memory_space<hbm>>
        tpu.wait_dma2 semaphore(%arg24 : memref<!tpu.dma_semaphore, #tpu.memory_space<semaphore_mem>>) src(%arg8 : memref<128x64xf32, #tpu.memory_space<vmem>>) dst(%dma_wait3A_300 : memref<128x64xf32, #tpu.memory_space<hbm>>)
      } else {
      }
      %add3A_154 = arith.constant 8 : i32
      %add3A_155 = arith.addi %add3A_148, %add3A_154 : i32
      %sub3A_156 = arith.constant 1 : i32
      %sub3A_157 = arith.subi %add3A_155, %sub3A_156 : i32
      %lt3A_158 = arith.constant 200 : i32
      %lt3A_159 = arith.cmpi slt, %sub3A_157, %lt3A_158 : i32
      %convert_element_type3A_160 = arith.extui %lt3A_159 : i1 to i32
      %cond3A_161 = arith.constant 0 : i32
      %cond3A_162 = arith.cmpi ne, %convert_element_type3A_160, %cond3A_161 : i32
      scf.if %cond3A_162 {
        %add3A_297 = arith.constant 8 : i32
        %add3A_298 = arith.addi %add3A_148, %add3A_297 : i32
        %sub3A_299 = arith.constant 1 : i32
        %sub3A_300 = arith.subi %add3A_298, %sub3A_299 : i32
        %dma_start3A_301 = arith.constant 0 : i32
        %dma_start3A_302 = tpu.memref_slice %arg5[%sub3A_300, %dma_start3A_301] : memref<200x128xi32, #tpu.memory_space<vmem>> -> memref<1x128xi32, #tpu.memory_space<vmem>>
        %dma_start3A_303 = tpu.memref_squeeze %dma_start3A_302 : memref<1x128xi32, #tpu.memory_space<vmem>> -> memref<128xi32, #tpu.memory_space<vmem>>
        %dma_start3A_304 = arith.constant 0 : i32
        %dma_start3A_305 = arith.constant 0 : i32
        %dma_start3A_306 = tpu.memref_slice %arg3[%dma_start3A_304, %dma_start3A_305] : memref<1000000x64xf32, #tpu.memory_space<hbm>> -> memref<1000000x64xf32, #tpu.memory_space<hbm>>
        tpu.enqueue_indirect_dma source(%dma_start3A_306 : memref<1000000x64xf32, #tpu.memory_space<hbm>>) target(%arg8 : memref<128x64xf32, #tpu.memory_space<vmem>>) offsets(%dma_start3A_303 : memref<128xi32, #tpu.memory_space<vmem>>) semaphore(%arg16 : memref<!tpu.dma_semaphore, #tpu.memory_space<semaphore_mem>>)
      } else {
      }
      %dma_wait3A_163 = arith.constant 0 : i32
      %dma_wait3A_164 = arith.constant 0 : i32
      %dma_wait3A_165 = tpu.memref_slice %arg5[%dma_wait3A_163, %dma_wait3A_164] : memref<200x128xi32, #tpu.memory_space<vmem>> -> memref<1x128xi32, #tpu.memory_space<vmem>>
      %dma_wait3A_166 = tpu.memref_squeeze %dma_wait3A_165 : memref<1x128xi32, #tpu.memory_space<vmem>> -> memref<128xi32, #tpu.memory_space<vmem>>
      %dma_wait3A_167 = arith.constant 0 : i32
      %dma_wait3A_168 = arith.constant 0 : i32
      %dma_wait3A_169 = tpu.memref_slice %arg3[%dma_wait3A_167, %dma_wait3A_168] : memref<1000000x64xf32, #tpu.memory_space<hbm>> -> memref<1000000x64xf32, #tpu.memory_space<hbm>>
      tpu.wait_indirect_dma semaphore(%arg17 : memref<!tpu.dma_semaphore, #tpu.memory_space<semaphore_mem>>) src(%dma_wait3A_169 : memref<1000000x64xf32, #tpu.memory_space<hbm>>) dst(%arg9 : memref<128x64xf32, #tpu.memory_space<vmem>>)
      %mul3A_170 = arith.constant 128 : i32
      %mul3A_171 = arith.muli %add3A_148, %mul3A_170 : i32
      %add3A_172 = arith.addi %mul3A_2, %mul3A_171 : i32
      %dma_start3A_173 = arith.constant 0 : i32
      %dma_start3A_174 = tpu.memref_slice %arg4[%add3A_172, %dma_start3A_173] : memref<819200x128xf32, #tpu.memory_space<hbm>> -> memref<128x64xf32, #tpu.memory_space<hbm>>
      %dma_start3A_175 = arith.constant 0 : i32
      %dma_start3A_176 = tpu.memref_slice %arg4[%add3A_172, %dma_start3A_175] : memref<819200x128xf32, #tpu.memory_space<hbm>> -> memref<128x64xf32, #tpu.memory_space<hbm>>
      tpu.enqueue_dma source(%arg9 : memref<128x64xf32, #tpu.memory_space<vmem>>) target(%dma_start3A_176 : memref<128x64xf32, #tpu.memory_space<hbm>>) target_semaphore(%arg25 : memref<!tpu.dma_semaphore, #tpu.memory_space<semaphore_mem>>)
      %add3A_177 = arith.constant 4 : i32
      %add3A_178 = arith.addi %mul3A_61, %add3A_177 : i32
      %ge3A_179 = arith.constant 1 : i32
      %ge3A_180 = arith.cmpi sge, %add3A_178, %ge3A_179 : i32
      %convert_element_type3A_181 = arith.extui %ge3A_180 : i1 to i32
      %cond3A_182 = arith.constant 0 : i32
      %cond3A_183 = arith.cmpi ne, %convert_element_type3A_181, %cond3A_182 : i32
      scf.if %cond3A_183 {
        %dma_wait3A_297 = arith.constant 0 : i32
        %dma_wait3A_298 = tpu.memref_slice %arg4[%mul3A_2, %dma_wait3A_297] : memref<819200x128xf32, #tpu.memory_space<hbm>> -> memref<128x64xf32, #tpu.memory_space<hbm>>
        %dma_wait3A_299 = arith.constant 0 : i32
        %dma_wait3A_300 = tpu.memref_slice %arg4[%mul3A_2, %dma_wait3A_299] : memref<819200x128xf32, #tpu.memory_space<hbm>> -> memref<128x64xf32, #tpu.memory_space<hbm>>
        tpu.wait_dma2 semaphore(%arg25 : memref<!tpu.dma_semaphore, #tpu.memory_space<semaphore_mem>>) src(%arg9 : memref<128x64xf32, #tpu.memory_space<vmem>>) dst(%dma_wait3A_300 : memref<128x64xf32, #tpu.memory_space<hbm>>)
      } else {
      }
      %add3A_184 = arith.constant 8 : i32
      %add3A_185 = arith.addi %add3A_178, %add3A_184 : i32
      %sub3A_186 = arith.constant 1 : i32
      %sub3A_187 = arith.subi %add3A_185, %sub3A_186 : i32
      %lt3A_188 = arith.constant 200 : i32
      %lt3A_189 = arith.cmpi slt, %sub3A_187, %lt3A_188 : i32
      %convert_element_type3A_190 = arith.extui %lt3A_189 : i1 to i32
      %cond3A_191 = arith.constant 0 : i32
      %cond3A_192 = arith.cmpi ne, %convert_element_type3A_190, %cond3A_191 : i32
      scf.if %cond3A_192 {
        %add3A_297 = arith.constant 8 : i32
        %add3A_298 = arith.addi %add3A_178, %add3A_297 : i32
        %sub3A_299 = arith.constant 1 : i32
        %sub3A_300 = arith.subi %add3A_298, %sub3A_299 : i32
        %dma_start3A_301 = arith.constant 0 : i32
        %dma_start3A_302 = tpu.memref_slice %arg5[%sub3A_300, %dma_start3A_301] : memref<200x128xi32, #tpu.memory_space<vmem>> -> memref<1x128xi32, #tpu.memory_space<vmem>>
        %dma_start3A_303 = tpu.memref_squeeze %dma_start3A_302 : memref<1x128xi32, #tpu.memory_space<vmem>> -> memref<128xi32, #tpu.memory_space<vmem>>
        %dma_start3A_304 = arith.constant 0 : i32
        %dma_start3A_305 = arith.constant 0 : i32
        %dma_start3A_306 = tpu.memref_slice %arg3[%dma_start3A_304, %dma_start3A_305] : memref<1000000x64xf32, #tpu.memory_space<hbm>> -> memref<1000000x64xf32, #tpu.memory_space<hbm>>
        tpu.enqueue_indirect_dma source(%dma_start3A_306 : memref<1000000x64xf32, #tpu.memory_space<hbm>>) target(%arg9 : memref<128x64xf32, #tpu.memory_space<vmem>>) offsets(%dma_start3A_303 : memref<128xi32, #tpu.memory_space<vmem>>) semaphore(%arg17 : memref<!tpu.dma_semaphore, #tpu.memory_space<semaphore_mem>>)
      } else {
      }
      %dma_wait3A_193 = arith.constant 0 : i32
      %dma_wait3A_194 = arith.constant 0 : i32
      %dma_wait3A_195 = tpu.memref_slice %arg5[%dma_wait3A_193, %dma_wait3A_194] : memref<200x128xi32, #tpu.memory_space<vmem>> -> memref<1x128xi32, #tpu.memory_space<vmem>>
      %dma_wait3A_196 = tpu.memref_squeeze %dma_wait3A_195 : memref<1x128xi32, #tpu.memory_space<vmem>> -> memref<128xi32, #tpu.memory_space<vmem>>
      %dma_wait3A_197 = arith.constant 0 : i32
      %dma_wait3A_198 = arith.constant 0 : i32
      %dma_wait3A_199 = tpu.memref_slice %arg3[%dma_wait3A_197, %dma_wait3A_198] : memref<1000000x64xf32, #tpu.memory_space<hbm>> -> memref<1000000x64xf32, #tpu.memory_space<hbm>>
      tpu.wait_indirect_dma semaphore(%arg18 : memref<!tpu.dma_semaphore, #tpu.memory_space<semaphore_mem>>) src(%dma_wait3A_199 : memref<1000000x64xf32, #tpu.memory_space<hbm>>) dst(%arg10 : memref<128x64xf32, #tpu.memory_space<vmem>>)
      %mul3A_200 = arith.constant 128 : i32
      %mul3A_201 = arith.muli %add3A_178, %mul3A_200 : i32
      %add3A_202 = arith.addi %mul3A_2, %mul3A_201 : i32
      %dma_start3A_203 = arith.constant 0 : i32
      %dma_start3A_204 = tpu.memref_slice %arg4[%add3A_202, %dma_start3A_203] : memref<819200x128xf32, #tpu.memory_space<hbm>> -> memref<128x64xf32, #tpu.memory_space<hbm>>
      %dma_start3A_205 = arith.constant 0 : i32
      %dma_start3A_206 = tpu.memref_slice %arg4[%add3A_202, %dma_start3A_205] : memref<819200x128xf32, #tpu.memory_space<hbm>> -> memref<128x64xf32, #tpu.memory_space<hbm>>
      tpu.enqueue_dma source(%arg10 : memref<128x64xf32, #tpu.memory_space<vmem>>) target(%dma_start3A_206 : memref<128x64xf32, #tpu.memory_space<hbm>>) target_semaphore(%arg26 : memref<!tpu.dma_semaphore, #tpu.memory_space<semaphore_mem>>)
      %add3A_207 = arith.constant 5 : i32
      %add3A_208 = arith.addi %mul3A_61, %add3A_207 : i32
      %ge3A_209 = arith.constant 1 : i32
      %ge3A_210 = arith.cmpi sge, %add3A_208, %ge3A_209 : i32
      %convert_element_type3A_211 = arith.extui %ge3A_210 : i1 to i32
      %cond3A_212 = arith.constant 0 : i32
      %cond3A_213 = arith.cmpi ne, %convert_element_type3A_211, %cond3A_212 : i32
      scf.if %cond3A_213 {
        %dma_wait3A_297 = arith.constant 0 : i32
        %dma_wait3A_298 = tpu.memref_slice %arg4[%mul3A_2, %dma_wait3A_297] : memref<819200x128xf32, #tpu.memory_space<hbm>> -> memref<128x64xf32, #tpu.memory_space<hbm>>
        %dma_wait3A_299 = arith.constant 0 : i32
        %dma_wait3A_300 = tpu.memref_slice %arg4[%mul3A_2, %dma_wait3A_299] : memref<819200x128xf32, #tpu.memory_space<hbm>> -> memref<128x64xf32, #tpu.memory_space<hbm>>
        tpu.wait_dma2 semaphore(%arg26 : memref<!tpu.dma_semaphore, #tpu.memory_space<semaphore_mem>>) src(%arg10 : memref<128x64xf32, #tpu.memory_space<vmem>>) dst(%dma_wait3A_300 : memref<128x64xf32, #tpu.memory_space<hbm>>)
      } else {
      }
      %add3A_214 = arith.constant 8 : i32
      %add3A_215 = arith.addi %add3A_208, %add3A_214 : i32
      %sub3A_216 = arith.constant 1 : i32
      %sub3A_217 = arith.subi %add3A_215, %sub3A_216 : i32
      %lt3A_218 = arith.constant 200 : i32
      %lt3A_219 = arith.cmpi slt, %sub3A_217, %lt3A_218 : i32
      %convert_element_type3A_220 = arith.extui %lt3A_219 : i1 to i32
      %cond3A_221 = arith.constant 0 : i32
      %cond3A_222 = arith.cmpi ne, %convert_element_type3A_220, %cond3A_221 : i32
      scf.if %cond3A_222 {
        %add3A_297 = arith.constant 8 : i32
        %add3A_298 = arith.addi %add3A_208, %add3A_297 : i32
        %sub3A_299 = arith.constant 1 : i32
        %sub3A_300 = arith.subi %add3A_298, %sub3A_299 : i32
        %dma_start3A_301 = arith.constant 0 : i32
        %dma_start3A_302 = tpu.memref_slice %arg5[%sub3A_300, %dma_start3A_301] : memref<200x128xi32, #tpu.memory_space<vmem>> -> memref<1x128xi32, #tpu.memory_space<vmem>>
        %dma_start3A_303 = tpu.memref_squeeze %dma_start3A_302 : memref<1x128xi32, #tpu.memory_space<vmem>> -> memref<128xi32, #tpu.memory_space<vmem>>
        %dma_start3A_304 = arith.constant 0 : i32
        %dma_start3A_305 = arith.constant 0 : i32
        %dma_start3A_306 = tpu.memref_slice %arg3[%dma_start3A_304, %dma_start3A_305] : memref<1000000x64xf32, #tpu.memory_space<hbm>> -> memref<1000000x64xf32, #tpu.memory_space<hbm>>
        tpu.enqueue_indirect_dma source(%dma_start3A_306 : memref<1000000x64xf32, #tpu.memory_space<hbm>>) target(%arg10 : memref<128x64xf32, #tpu.memory_space<vmem>>) offsets(%dma_start3A_303 : memref<128xi32, #tpu.memory_space<vmem>>) semaphore(%arg18 : memref<!tpu.dma_semaphore, #tpu.memory_space<semaphore_mem>>)
      } else {
      }
      %dma_wait3A_223 = arith.constant 0 : i32
      %dma_wait3A_224 = arith.constant 0 : i32
      %dma_wait3A_225 = tpu.memref_slice %arg5[%dma_wait3A_223, %dma_wait3A_224] : memref<200x128xi32, #tpu.memory_space<vmem>> -> memref<1x128xi32, #tpu.memory_space<vmem>>
      %dma_wait3A_226 = tpu.memref_squeeze %dma_wait3A_225 : memref<1x128xi32, #tpu.memory_space<vmem>> -> memref<128xi32, #tpu.memory_space<vmem>>
      %dma_wait3A_227 = arith.constant 0 : i32
      %dma_wait3A_228 = arith.constant 0 : i32
      %dma_wait3A_229 = tpu.memref_slice %arg3[%dma_wait3A_227, %dma_wait3A_228] : memref<1000000x64xf32, #tpu.memory_space<hbm>> -> memref<1000000x64xf32, #tpu.memory_space<hbm>>
      tpu.wait_indirect_dma semaphore(%arg19 : memref<!tpu.dma_semaphore, #tpu.memory_space<semaphore_mem>>) src(%dma_wait3A_229 : memref<1000000x64xf32, #tpu.memory_space<hbm>>) dst(%arg11 : memref<128x64xf32, #tpu.memory_space<vmem>>)
      %mul3A_230 = arith.constant 128 : i32
      %mul3A_231 = arith.muli %add3A_208, %mul3A_230 : i32
      %add3A_232 = arith.addi %mul3A_2, %mul3A_231 : i32
      %dma_start3A_233 = arith.constant 0 : i32
      %dma_start3A_234 = tpu.memref_slice %arg4[%add3A_232, %dma_start3A_233] : memref<819200x128xf32, #tpu.memory_space<hbm>> -> memref<128x64xf32, #tpu.memory_space<hbm>>
      %dma_start3A_235 = arith.constant 0 : i32
      %dma_start3A_236 = tpu.memref_slice %arg4[%add3A_232, %dma_start3A_235] : memref<819200x128xf32, #tpu.memory_space<hbm>> -> memref<128x64xf32, #tpu.memory_space<hbm>>
      tpu.enqueue_dma source(%arg11 : memref<128x64xf32, #tpu.memory_space<vmem>>) target(%dma_start3A_236 : memref<128x64xf32, #tpu.memory_space<hbm>>) target_semaphore(%arg27 : memref<!tpu.dma_semaphore, #tpu.memory_space<semaphore_mem>>)
      %add3A_237 = arith.constant 6 : i32
      %add3A_238 = arith.addi %mul3A_61, %add3A_237 : i32
      %ge3A_239 = arith.constant 1 : i32
      %ge3A_240 = arith.cmpi sge, %add3A_238, %ge3A_239 : i32
      %convert_element_type3A_241 = arith.extui %ge3A_240 : i1 to i32
      %cond3A_242 = arith.constant 0 : i32
      %cond3A_243 = arith.cmpi ne, %convert_element_type3A_241, %cond3A_242 : i32
      scf.if %cond3A_243 {
        %dma_wait3A_297 = arith.constant 0 : i32
        %dma_wait3A_298 = tpu.memref_slice %arg4[%mul3A_2, %dma_wait3A_297] : memref<819200x128xf32, #tpu.memory_space<hbm>> -> memref<128x64xf32, #tpu.memory_space<hbm>>
        %dma_wait3A_299 = arith.constant 0 : i32
        %dma_wait3A_300 = tpu.memref_slice %arg4[%mul3A_2, %dma_wait3A_299] : memref<819200x128xf32, #tpu.memory_space<hbm>> -> memref<128x64xf32, #tpu.memory_space<hbm>>
        tpu.wait_dma2 semaphore(%arg27 : memref<!tpu.dma_semaphore, #tpu.memory_space<semaphore_mem>>) src(%arg11 : memref<128x64xf32, #tpu.memory_space<vmem>>) dst(%dma_wait3A_300 : memref<128x64xf32, #tpu.memory_space<hbm>>)
      } else {
      }
      %add3A_244 = arith.constant 8 : i32
      %add3A_245 = arith.addi %add3A_238, %add3A_244 : i32
      %sub3A_246 = arith.constant 1 : i32
      %sub3A_247 = arith.subi %add3A_245, %sub3A_246 : i32
      %lt3A_248 = arith.constant 200 : i32
      %lt3A_249 = arith.cmpi slt, %sub3A_247, %lt3A_248 : i32
      %convert_element_type3A_250 = arith.extui %lt3A_249 : i1 to i32
      %cond3A_251 = arith.constant 0 : i32
      %cond3A_252 = arith.cmpi ne, %convert_element_type3A_250, %cond3A_251 : i32
      scf.if %cond3A_252 {
        %add3A_297 = arith.constant 8 : i32
        %add3A_298 = arith.addi %add3A_238, %add3A_297 : i32
        %sub3A_299 = arith.constant 1 : i32
        %sub3A_300 = arith.subi %add3A_298, %sub3A_299 : i32
        %dma_start3A_301 = arith.constant 0 : i32
        %dma_start3A_302 = tpu.memref_slice %arg5[%sub3A_300, %dma_start3A_301] : memref<200x128xi32, #tpu.memory_space<vmem>> -> memref<1x128xi32, #tpu.memory_space<vmem>>
        %dma_start3A_303 = tpu.memref_squeeze %dma_start3A_302 : memref<1x128xi32, #tpu.memory_space<vmem>> -> memref<128xi32, #tpu.memory_space<vmem>>
        %dma_start3A_304 = arith.constant 0 : i32
        %dma_start3A_305 = arith.constant 0 : i32
        %dma_start3A_306 = tpu.memref_slice %arg3[%dma_start3A_304, %dma_start3A_305] : memref<1000000x64xf32, #tpu.memory_space<hbm>> -> memref<1000000x64xf32, #tpu.memory_space<hbm>>
        tpu.enqueue_indirect_dma source(%dma_start3A_306 : memref<1000000x64xf32, #tpu.memory_space<hbm>>) target(%arg11 : memref<128x64xf32, #tpu.memory_space<vmem>>) offsets(%dma_start3A_303 : memref<128xi32, #tpu.memory_space<vmem>>) semaphore(%arg19 : memref<!tpu.dma_semaphore, #tpu.memory_space<semaphore_mem>>)
      } else {
      }
      %dma_wait3A_253 = arith.constant 0 : i32
      %dma_wait3A_254 = arith.constant 0 : i32
      %dma_wait3A_255 = tpu.memref_slice %arg5[%dma_wait3A_253, %dma_wait3A_254] : memref<200x128xi32, #tpu.memory_space<vmem>> -> memref<1x128xi32, #tpu.memory_space<vmem>>
      %dma_wait3A_256 = tpu.memref_squeeze %dma_wait3A_255 : memref<1x128xi32, #tpu.memory_space<vmem>> -> memref<128xi32, #tpu.memory_space<vmem>>
      %dma_wait3A_257 = arith.constant 0 : i32
      %dma_wait3A_258 = arith.constant 0 : i32
      %dma_wait3A_259 = tpu.memref_slice %arg3[%dma_wait3A_257, %dma_wait3A_258] : memref<1000000x64xf32, #tpu.memory_space<hbm>> -> memref<1000000x64xf32, #tpu.memory_space<hbm>>
      tpu.wait_indirect_dma semaphore(%arg20 : memref<!tpu.dma_semaphore, #tpu.memory_space<semaphore_mem>>) src(%dma_wait3A_259 : memref<1000000x64xf32, #tpu.memory_space<hbm>>) dst(%arg12 : memref<128x64xf32, #tpu.memory_space<vmem>>)
      %mul3A_260 = arith.constant 128 : i32
      %mul3A_261 = arith.muli %add3A_238, %mul3A_260 : i32
      %add3A_262 = arith.addi %mul3A_2, %mul3A_261 : i32
      %dma_start3A_263 = arith.constant 0 : i32
      %dma_start3A_264 = tpu.memref_slice %arg4[%add3A_262, %dma_start3A_263] : memref<819200x128xf32, #tpu.memory_space<hbm>> -> memref<128x64xf32, #tpu.memory_space<hbm>>
      %dma_start3A_265 = arith.constant 0 : i32
      %dma_start3A_266 = tpu.memref_slice %arg4[%add3A_262, %dma_start3A_265] : memref<819200x128xf32, #tpu.memory_space<hbm>> -> memref<128x64xf32, #tpu.memory_space<hbm>>
      tpu.enqueue_dma source(%arg12 : memref<128x64xf32, #tpu.memory_space<vmem>>) target(%dma_start3A_266 : memref<128x64xf32, #tpu.memory_space<hbm>>) target_semaphore(%arg28 : memref<!tpu.dma_semaphore, #tpu.memory_space<semaphore_mem>>)
      %add3A_267 = arith.constant 7 : i32
      %add3A_268 = arith.addi %mul3A_61, %add3A_267 : i32
      %ge3A_269 = arith.constant 1 : i32
      %ge3A_270 = arith.cmpi sge, %add3A_268, %ge3A_269 : i32
      %convert_element_type3A_271 = arith.extui %ge3A_270 : i1 to i32
      %cond3A_272 = arith.constant 0 : i32
      %cond3A_273 = arith.cmpi ne, %convert_element_type3A_271, %cond3A_272 : i32
      scf.if %cond3A_273 {
        %dma_wait3A_297 = arith.constant 0 : i32
        %dma_wait3A_298 = tpu.memref_slice %arg4[%mul3A_2, %dma_wait3A_297] : memref<819200x128xf32, #tpu.memory_space<hbm>> -> memref<128x64xf32, #tpu.memory_space<hbm>>
        %dma_wait3A_299 = arith.constant 0 : i32
        %dma_wait3A_300 = tpu.memref_slice %arg4[%mul3A_2, %dma_wait3A_299] : memref<819200x128xf32, #tpu.memory_space<hbm>> -> memref<128x64xf32, #tpu.memory_space<hbm>>
        tpu.wait_dma2 semaphore(%arg28 : memref<!tpu.dma_semaphore, #tpu.memory_space<semaphore_mem>>) src(%arg12 : memref<128x64xf32, #tpu.memory_space<vmem>>) dst(%dma_wait3A_300 : memref<128x64xf32, #tpu.memory_space<hbm>>)
      } else {
      }
      %add3A_274 = arith.constant 8 : i32
      %add3A_275 = arith.addi %add3A_268, %add3A_274 : i32
      %sub3A_276 = arith.constant 1 : i32
      %sub3A_277 = arith.subi %add3A_275, %sub3A_276 : i32
      %lt3A_278 = arith.constant 200 : i32
      %lt3A_279 = arith.cmpi slt, %sub3A_277, %lt3A_278 : i32
      %convert_element_type3A_280 = arith.extui %lt3A_279 : i1 to i32
      %cond3A_281 = arith.constant 0 : i32
      %cond3A_282 = arith.cmpi ne, %convert_element_type3A_280, %cond3A_281 : i32
      scf.if %cond3A_282 {
        %add3A_297 = arith.constant 8 : i32
        %add3A_298 = arith.addi %add3A_268, %add3A_297 : i32
        %sub3A_299 = arith.constant 1 : i32
        %sub3A_300 = arith.subi %add3A_298, %sub3A_299 : i32
        %dma_start3A_301 = arith.constant 0 : i32
        %dma_start3A_302 = tpu.memref_slice %arg5[%sub3A_300, %dma_start3A_301] : memref<200x128xi32, #tpu.memory_space<vmem>> -> memref<1x128xi32, #tpu.memory_space<vmem>>
        %dma_start3A_303 = tpu.memref_squeeze %dma_start3A_302 : memref<1x128xi32, #tpu.memory_space<vmem>> -> memref<128xi32, #tpu.memory_space<vmem>>
        %dma_start3A_304 = arith.constant 0 : i32
        %dma_start3A_305 = arith.constant 0 : i32
        %dma_start3A_306 = tpu.memref_slice %arg3[%dma_start3A_304, %dma_start3A_305] : memref<1000000x64xf32, #tpu.memory_space<hbm>> -> memref<1000000x64xf32, #tpu.memory_space<hbm>>
        tpu.enqueue_indirect_dma source(%dma_start3A_306 : memref<1000000x64xf32, #tpu.memory_space<hbm>>) target(%arg12 : memref<128x64xf32, #tpu.memory_space<vmem>>) offsets(%dma_start3A_303 : memref<128xi32, #tpu.memory_space<vmem>>) semaphore(%arg20 : memref<!tpu.dma_semaphore, #tpu.memory_space<semaphore_mem>>)
      } else {
      }
      %dma_wait3A_283 = arith.constant 0 : i32
      %dma_wait3A_284 = arith.constant 0 : i32
      %dma_wait3A_285 = tpu.memref_slice %arg5[%dma_wait3A_283, %dma_wait3A_284] : memref<200x128xi32, #tpu.memory_space<vmem>> -> memref<1x128xi32, #tpu.memory_space<vmem>>
      %dma_wait3A_286 = tpu.memref_squeeze %dma_wait3A_285 : memref<1x128xi32, #tpu.memory_space<vmem>> -> memref<128xi32, #tpu.memory_space<vmem>>
      %dma_wait3A_287 = arith.constant 0 : i32
      %dma_wait3A_288 = arith.constant 0 : i32
      %dma_wait3A_289 = tpu.memref_slice %arg3[%dma_wait3A_287, %dma_wait3A_288] : memref<1000000x64xf32, #tpu.memory_space<hbm>> -> memref<1000000x64xf32, #tpu.memory_space<hbm>>
      tpu.wait_indirect_dma semaphore(%arg21 : memref<!tpu.dma_semaphore, #tpu.memory_space<semaphore_mem>>) src(%dma_wait3A_289 : memref<1000000x64xf32, #tpu.memory_space<hbm>>) dst(%arg13 : memref<128x64xf32, #tpu.memory_space<vmem>>)
      %mul3A_290 = arith.constant 128 : i32
      %mul3A_291 = arith.muli %add3A_268, %mul3A_290 : i32
      %add3A_292 = arith.addi %mul3A_2, %mul3A_291 : i32
      %dma_start3A_293 = arith.constant 0 : i32
      %dma_start3A_294 = tpu.memref_slice %arg4[%add3A_292, %dma_start3A_293] : memref<819200x128xf32, #tpu.memory_space<hbm>> -> memref<128x64xf32, #tpu.memory_space<hbm>>
      %dma_start3A_295 = arith.constant 0 : i32
      %dma_start3A_296 = tpu.memref_slice %arg4[%add3A_292, %dma_start3A_295] : memref<819200x128xf32, #tpu.memory_space<hbm>> -> memref<128x64xf32, #tpu.memory_space<hbm>>
      tpu.enqueue_dma source(%arg13 : memref<128x64xf32, #tpu.memory_space<vmem>>) target(%dma_start3A_296 : memref<128x64xf32, #tpu.memory_space<hbm>>) target_semaphore(%arg29 : memref<!tpu.dma_semaphore, #tpu.memory_space<semaphore_mem>>)
    }
    %scan3A_55 = arith.constant 25 : i32
    %dma_wait3A = arith.constant 0 : i32
    %dma_wait3A_56 = tpu.memref_slice %arg4[%mul3A_2, %dma_wait3A] : memref<819200x128xf32, #tpu.memory_space<hbm>> -> memref<128x64xf32, #tpu.memory_space<hbm>>
    %dma_wait3A_57 = arith.constant 0 : i32
    %dma_wait3A_58 = tpu.memref_slice %arg4[%mul3A_2, %dma_wait3A_57] : memref<819200x128xf32, #tpu.memory_space<hbm>> -> memref<128x64xf32, #tpu.memory_space<hbm>>
    tpu.wait_dma2 semaphore(%arg29 : memref<!tpu.dma_semaphore, #tpu.memory_space<semaphore_mem>>) src(%arg13 : memref<128x64xf32, #tpu.memory_space<vmem>>) dst(%dma_wait3A_58 : memref<128x64xf32, #tpu.memory_space<hbm>>)
    return
  }
}

</mosaic_0001>

<sc_bundles>
// kernel: kernel.3.cloned.1.call-start
scs
__scs_entry_jumppad:
0x0: {  	(pc) =	sbr.rel $0x88, $3  }
0x1: {  	(tag) =	ssettag $0x0;
	lr =	simm.s32 $0x1  }
0x2: {  	[smem:$0x3F9F] =	sst lr;
	_ =	strace $0xD0000000  }
0x3: {  	_ = 	snop  }
0x4: {  	_ = 	snop  }
0x5: {  	_ = 	snop  }
0x6: {  	_ = 	snop  }
0x7: {  	_ = 	snop  }
__scs_overlays_trampoline_lowered:
0x8: {  	[smem:$0x3FAE] =	sst s0  }
0x9: {  	[smem:$0x3FAF] =	sst s1  }
0xa: {  	[smem:$0x3FB0] =	sst s2  }
0xb: {  	[smem:$0x3FB1] =	sst s3  }
0xc: {  	[smem:$0x3FB2] =	sst s4  }
0xd: {  	[smem:$0x3FB3] =	sst s5  }
0xe: {  	[smem:$0x3FB4] =	sst s6  }
0xf: {  	[smem:$0x3FB5] =	sst s7  }
0x10: {  	[smem:$0x3FB6] =	sst s8  }
0x11: {  	[smem:$0x3FB7] =	sst s9;
	s0 =	simm.s32 @!p0 $0x0  }
0x12: {  	s1 =	sld [smem:$0x3F9D];
	s0 =	simm.s32 @p0 $0x1  }
0x13: {  	[smem:$0x3FB8] =	sst s0;
	s0 =	simm.s32 @!p1 $0x0  }
0x14: {  	s2 =	sld [smem:$0x3F9C];
	s0 =	simm.s32 @p1 $0x1  }
0x15: {  	[smem:$0x3FB9] =	sst s0;
	s0 =	simm.s32 @!p2 $0x0  }
0x16: {  	s3 =	sld [smem:$0x3FDB];
	s0 =	simm.s32 @p2 $0x1  }
0x17: {  	s4 =	simm.s32 $0x1BF5;
	[smem:$0x3FBB] =	sst s0  }
0x18: {  	s0 =	sld [smem:$0x3F9E];
	_ =	swait.ge [sflag:s4], $0x0  }
0x19: {  	s7 =	sld [smem:$0x3F9F]  }
0x1a: {  	s8 =	sadd.s32 $0xFFFFE003, lr  }
0x1b: {  	s9 =	sadd.s32 $0xFFFFFEF7, lr;
	s5 =	simm.s32 $0xFFFFFFFF;
	p2 =	slt.u32 s8, $0xFFFFF086  }
0x1c: {  	p1 =	slt.u32 s9, $0xF7A;
	s5 =	simm.s32 @!p2 $0x0  }
0x1d: {  	s5 =	simm.s32 @p1 $0x1;
	p0 =	seq.s32 s7, s2  }
0x1e: {  	s7 =	smul.u32 @!p0 $0xF7A, s2;
	p2 =	seq.s32 @!p0 s5, $0x0  }
0x1f: {  	s9 =	smul.u32 $0xF7A, s1;
	s8 =	simm.s32 @!p0 $0x1BF5;
	p2 =	por !p2, p0  }
0x20: {  	[sflag:s8] =	ssyncset.s32 @!p0 $0xFFFFF086;
	s6 =	sadd.s32 @!p0 s3, s7;
	s7 =	simm.s32 @!p0 $0x108  }
0x21: {  	s3 =	sadd.s32 s3, s9;
	s6 =	sadd.s32 @!p0 $0x88, s6;
	s7 =	simm.s32 @p2 $0x1082  }
0x22: {  	[simem:s7], [sflag:s8] =	dma.local @!p0 [hbm:s6], $0xF7A  }
0x23: {  	s9 =	sor.u32 $0xD0000000, s2;
	s6 =	simm.s32 $0x108;
	_ =	swait.ge @!p0 [sflag:s8], $0x0  }
0x24: {  	s3 =	sadd.s32 $0x88, s3;
	s6 =	simm.s32 @!p1 $0x1082;
	[sflag:s4] =	ssyncset.s32 $0xFFFFF086  }
0x25: {  	[simem:s6], [sflag:s4] =	dma.local [hbm:s3], $0xF7A  }
0x26: {  	[smem:$0x3F9F] =	sst s1;
	(tag) =	ssettag s2;
	_ =	strace s9  }
0x27: {  	s1 =	sld [smem:$0x3FAF]  }
0x28: {  	s2 =	sld [smem:$0x3FB0]  }
0x29: {  	s4 =	sld [smem:$0x3FB2]  }
0x2a: {  	p0 =	seq.s32 s5, $0x0;
	s5 =	sld [smem:$0x3FB3]  }
0x2b: {  	s6 =	sld [smem:$0x3FB4]  }
0x2c: {  	s7 =	sld [smem:$0x3FB5]  }
0x2d: {  	s3 =	simm.s32 $0x108;
	s8 =	sld [smem:$0x3FB6]  }
0x2e: {  	s3 =	simm.s32 @!p0 $0x1082;
	s9 =	sld [smem:$0x3FB7]  }
0x2f: {  	lr =	sadd.s32 s0, s3;
	s0 =	sld [smem:$0x3FAE]  }
0x30: {  	s3 =	sld [smem:$0x3FB1]  }
0x31: {  	[smem:$0x3FBA] =	sst s10  }
0x32: {  	s10 =	sld [smem:$0x3FB8];
	_ =	sdelay $0x3  }
0x33: {  	p0 =	seq.s32 s10, $0x1;
	s10 =	sld [smem:$0x3FBA];
	_ =	sdelay $0x3  }
0x34: {  	[smem:$0x3FBA] =	sst s10  }
0x35: {  	s10 =	sld [smem:$0x3FB9];
	_ =	sdelay $0x3  }
0x36: {  	p1 =	seq.s32 s10, $0x1;
	s10 =	sld [smem:$0x3FBA];
	_ =	sdelay $0x3  }
0x37: {  	[smem:$0x3FBA] =	sst s10  }
0x38: {  	s10 =	sld [smem:$0x3FBB]  }
0x39: {  	_ = 	snop;
	(pc) =	sbr.ind lr, $3  }
0x3a: {  	_ = 	snop  }
0x3b: {  	_ = 	snop  }
0x3c: {  	p2 =	seq.s32 s10, $0x1;
	s10 =	sld [smem:$0x3FBA]  }
0x3d: {  	_ =	shalt  }
0x3e: {  	_ =	shalt  }
0x3f: {  	_ =	shalt  }
0x40: {  	_ =	shalt  }
0x41: {  	_ =	shalt  }
0x42: {  	_ =	shalt  }
0x43: {  	_ =	shalt  }
0x44: {  	_ =	shalt  }
0x45: {  	_ =	shalt  }
0x46: {  	_ =	shalt  }
0x47: {  	_ =	shalt  }
0x48: {  	_ =	shalt  }
0x49: {  	_ =	shalt  }
0x4a: {  	_ =	shalt  }
0x4b: {  	_ =	shalt  }
0x4c: {  	_ =	shalt  }
0x4d: {  	_ =	shalt  }
0x4e: {  	_ =	shalt  }
0x4f: {  	_ =	shalt  }
0x50: {  	_ =	shalt  }
0x51: {  	_ =	shalt  }
0x52: {  	_ =	shalt  }
0x53: {  	_ =	shalt  }
0x54: {  	_ =	shalt  }
0x55: {  	_ =	shalt  }
0x56: {  	_ =	shalt  }
0x57: {  	_ =	shalt  }
0x58: {  	_ =	shalt  }
0x59: {  	_ =	shalt  }
0x5a: {  	_ =	shalt  }
0x5b: {  	_ =	shalt  }
0x5c: {  	_ =	shalt  }
0x5d: {  	_ =	shalt  }
0x5e: {  	_ =	shalt  }
0x5f: {  	_ =	shalt  }
0x60: {  	_ =	shalt  }
0x61: {  	_ =	shalt  }
0x62: {  	_ =	shalt  }
0x63: {  	_ =	shalt  }
0x64: {  	_ =	shalt  }
0x65: {  	_ =	shalt  }
0x66: {  	_ =	shalt  }
0x67: {  	_ =	shalt  }
0x68: {  	_ =	shalt  }
0x69: {  	_ =	shalt  }
0x6a: {  	_ =	shalt  }
0x6b: {  	_ =	shalt  }
0x6c: {  	_ =	shalt  }
0x6d: {  	_ =	shalt  }
0x6e: {  	_ =	shalt  }
0x6f: {  	_ =	shalt  }
0x70: {  	_ =	shalt  }
0x71: {  	_ =	shalt  }
0x72: {  	_ =	shalt  }
0x73: {  	_ =	shalt  }
0x74: {  	_ =	shalt  }
0x75: {  	_ =	shalt  }
0x76: {  	_ =	shalt  }
0x77: {  	_ =	shalt  }
0x78: {  	_ =	shalt  }
0x79: {  	_ =	shalt  }
0x7a: {  	_ =	shalt  }
0x7b: {  	_ =	shalt  }
0x7c: {  	_ =	shalt  }
0x7d: {  	_ =	shalt  }
0x7e: {  	_ =	shalt  }
0x7f: {  	_ =	shalt  }
0x80: {  	_ =	shalt  }
0x81: {  	_ =	shalt  }
0x82: {  	_ =	shalt  }
0x83: {  	_ =	shalt  }
0x84: {  	_ =	shalt  }
0x85: {  	_ =	shalt  }
0x86: {  	_ =	shalt  }
0x87: {  	_ =	shalt  }
.Lfunc_end0:
.L_simem_size_0:
called_computation.1_lowered:
.L_overlay_start_0:
0x88: {  	s2 =	sld [smem:$0x3FD9]  }
0x89: {  	s3 =	sld [smem:$0x3FFE];
	_ =	sdelay $0x1  }
0x8a: {  	s1 =	srdreg.scid  }
0x8b: {  	s0 =	sand.u32 $0x1, s1  }
0x8c: {  	s17 =	sshll.u32 s0, $0xA;
	s2 =	sadd.s32 s3, s2  }
0x8d: {  	s2 =	sadd.s32 s2, s17  }
0x8e: {  	[smem:$0x3FC6] =	sst s2  }
0x8f: {  	_ = 	snop  }
0x90: {  	s2 =	sld [smem:$0x3FD0];
	(tm) =	ssettm $0x1  }
0x91: {  	s18 =	sld [smem:$0x3FFB];
	_ =	sdelay $0x3  }
0x92: {  	_ =	strace s18  }
0x93: {  	s3 =	sld [smem:$0x3FFC];
	_ =	sdelay $0x3  }
0x94: {  	_ =	strace s3  }
0x95: {  	s3 =	sld [smem:$0x3FFD];
	_ =	sdelay $0x3  }
0x96: {  	_ =	strace s3  }
0x97: {  	_ =	strace $0x8FFFFFFF  }
0x98: {  	s19 =	sld [smem:$0x3FDB];
	_ =	sdelay $0x1  }
0x99: {  	s4 =	simm.s32 $_scs_section_size  }
0x9a: {  	s5 =	simm.s32 $_size__tile_overlayer_lowered;
	s6 =	simm.s32 $_tile_overlayer_lowered  }
0x9b: {  	s22 =	simm.s32 $0x1BFF;
	s21 =	sshll.u32 s6, $0x1;
	s3 =	sadd.s32 s4, s19  }
0x9c: {  	s7 =	simm.s32 $0x0;
	s20 =	sshll.u32 s5, $0x1;
	s5 =	sadd.s32 s21, s3  }
0x9d: {  	[timem:s7], [sflag:s22] =	dma.local [hbm:s5], s20  }
0x9e: {  	_ =	swait.ge [sflag:s22], s20  }
0x9f: {  	s4 =	ssub.s32 $0x0, s20;
	[sflag:s22] =	ssyncset.done $0x0  }
0xa0: {  	[sflag:s22] =	ssyncadd.s32 s4;
	_ =	sdelay $0x1  }
0xa1: {  	s23 =	simm.s32 $0x1B8B  }
0xa2: {  	_ =	swait.ge [sflag:s23], $0x1  }
0xa3: {  	[sflag:s23] =	ssyncset.done $0x0  }
0xa4: {  	s25 =	simm.s32 $0x1B8E;
	s24 =	sld [smem:$0x3FFE];
	[sflag:s23] =	ssyncadd.s32 $0xFFFFFFFF  }
0xa5: {  	s26 =	simm.s32 $execute0_lowered;
	[smem:$0x3FD2] =	sst s25  }
0xa6: {  	s5 =	sshll.u32 s26, $0x1;
	_ =	strace $0x80000046;
	[dreg:$0x1] =	wrdreg $0xFFFFFFFF  }
0xa7: {  	s28 =	simm.s32 $_size_execute0_lowered;
	s3 =	sadd.s32 s3, s5;
	[dreg:$0x0] =	wrdreg $0x0  }
0xa8: {  	s5 =	sshll.u32 s28, $0x1;
	[dreg:$0x2] =	wrdreg s3  }
0xa9: {  	[dreg:$0x3] =	wrdreg s5  }
0xaa: {  	[dreg:$0x4] =	wrdreg $0xC0  }
0xab: {  	_ =	task [dreg:s7], $0x5FFFF  }
0xac: {  	[dreg:$0x1] =	wrdreg $0xFFFFFFFF  }
0xad: {  	[dreg:$0x0] =	wrdreg $0x60  }
0xae: {  	[dreg:$0x2] =	wrdreg s2  }
0xaf: {  	[dreg:$0x3] =	wrdreg s24  }
0xb0: {  	[dreg:$0x4] =	wrdreg $0x9  }
0xb1: {  	_ =	task.clear_ibuf [dreg:s7], $0x5FFFF;
	_ =	strace $0x90000046  }
0xb2: {  	s29 =	simm.s32 $0x9;
	_ =	strace $0x80000048  }
0xb3: {  	_ =	swait.ge [sflag:s29], $0x1  }
0xb4: {  	[sflag:s29] =	ssyncadd.s32 $0xFFFFFFFF  }
0xb5: {  	_ =	strace $0x90000048  }
0xb6: {  	_ =	sfence  }
0xb7: {  	s30 =	sld [smem:$0x0];
	_ =	sdelay $0x2  }
0xb8: {  	s31 =	sshll.u32 s1, $0xD;
	s1 =	sshrl.u32 s1, $0x2  }
0xb9: {  	s3 =	sand.u32 $0x4000, s31;
	s1 =	sadd.s32 s1, s30  }
0xba: {  	s0 =	sor.u32 s3, s0;
	s1 =	sshll.u32 s1, $0x11  }
0xbb: {  	s0 =	sor.u32 s1, s0  }
0xbc: {  	s0 =	sadd.s32 $0x8F2B, s0  }
0xbd: {  	[sflag:s0] =	ssyncadd.remote.s32 $0x1  }
0xbe: {  	_ =	sfence.sel $0xFFFF  }
0xbf: {  	[dreg:$0x0] =	wrdreg $0xFFFFFFFF;
	(pc) =	sbr.abs _section_cstart, $3  }
0xc0: {  	[dreg:$0x1] =	wrdreg $0xFFFFFFFF  }
0xc1: {  	_ =	task.clear_ibuf [dreg:s7], $0x2FFFF;
	_ =	strace $0x9FFFFFFF  }
0xc2: {  	(tm) =	ssettm $0x7FFFFFFF  }
0xc3: {  	_ =	shalt  }
tec
execute0_lowered:
.L_overlay_start_1:
0x0: {  	(tag) =	ssettag $0x1  }
0x1: {  	s0 =	srdreg.scid;
	s1 =	rddreg [dreg:$0x0]  }
0x2: {  	s8 =	stileid.u32;
	s4 =	rddreg [dreg:$0x1];
	s3 =	simm.s32 $0x0  }
0x3: {  	s28 =	simm.s32 $0x3;
	s29 =	simm.s32 $0xB;
	s30 =	simm.s32 $0x4  }
0x4: {  	s31 =	simm.s32 $0xC;
	s11 =	simm.s32 $0x6;
	s13 =	simm.s32 $0xE  }
0x5: {  	s15 =	simm.s32 $0x7;
	s0 =	sand.u32 $0x1, s0;
	s2 =	smul.u32 $0x640000, s8  }
0x6: {  	s6 =	smul.u32 $0xC800, s8;
	[smem:$0x7FF] =	sst s3;
	s3 =	sadd.s32 $0xF42E00, s4  }
0x7: {  	s4 =	sadd.s32 $0xA00, s4;
	s22 =	sshll.u32 s8, $0x1;
	s5 =	smul.u32 $0x320000, s0  }
0x8: {  	s8 =	simm.s32 $0x80;
	s7 =	smul.u32 $0x6400, s0;
	_ =	strace $0x80000047  }
0x9: {  	[dreg:$0xb] =	wrdreg s4;
	s17 =	ssub.s32 $0x2, s0;
	s0 =	sor.u32 s0, s22  }
0xa: {  	s22 =	simm.s32 $0x1;
	s19 =	sshrl.u32 s17, $0x1;
	s2 =	sadd.s32 s5, s2  }
0xb: {  	s16 =	sadd.s32 s7, s6;
	s5 =	ssub.s32 s17, s19;
	s18 =	sshrl.u32 s2, $0x3  }
0xc: {  	s4 =	sshll.u32 s16, $0x4;
	s26 =	smax.u32 s5, $0x1;
	[dreg:$0x3] =	wrdreg s18  }
0xd: {  	s0 =	smul.u32 $0x6400, s0;
	s20 =	sor.u32 $0x3000, s4;
	[dreg:$0xd] =	wrdreg s26  }
0xe: {  	s17 =	simm.s32 $0xF;
	s21 =	sor.u32 $0x2800, s4;
	[dreg:$0x4] =	wrdreg s20  }
0xf: {  	s19 =	simm.s32 $0x8;
	s23 =	sor.u32 $0x2000, s4;
	[dreg:$0x5] =	wrdreg s21  }
0x10: {  	s2 =	sor.u32 $0x1C000, s2;
	s24 =	sor.u32 $0x1800, s4;
	[dreg:$0x6] =	wrdreg s23  }
0x11: {  	s0 =	sshrl.u32 s0, $0x3;
	s25 =	sor.u32 $0x1000, s4;
	[dreg:$0x7] =	wrdreg s24  }
0x12: {  	s5 =	simm.s32 $0x0;
	s4 =	sor.u32 $0x800, s4;
	[dreg:$0x8] =	wrdreg s25  }
0x13: {  	s2 =	sshrl.u32 s2, $0x3;
	s0 =	sadd.s32 s1, s0;
	[dreg:$0x9] =	wrdreg s4  }
0x14: {  	s26 =	simm.s32 $0xA;
	s1 =	simm.s32 $0x5;
	[dreg:$0xc] =	wrdreg s0  }
0x15: {  	[dreg:$0xa] =	wrdreg s2;
	s21 =	simm.s32 $0x14400;
	s23 =	simm.s32 $0x40  }
0x16: {  	s24 =	simm.s32 $0x9;
	s25 =	simm.s32 $0x2;
	s0 =	simm.s32 $0xD  }
.LBB2_1:
0x17: {  	[dreg:$0xe] =	wrdreg s5  }
0x18: {  	s2 =	simm.s32 $0x0;
	s4 =	rddreg [dreg:$0xc];
	s14 =	simm.s32 $0x11  }
0x19: {  	[tilespmem:s2], [sflag:$0x11] =	stream.linear.gather [hbm4b:s4+s2], $0x6400, $0x38;
	[tilespmem:$0x16400] =	vst v63  }
0x1a: {  	_ =	swait.ge [sflag:s14], $0x6400  }
0x1b: {  	[sflag:s14] =	ssyncset.done $0x0  }
0x1c: {  	s4 =	simm.s32 $0x6400;
	[sflag:s14] =	ssyncadd.s32 $0xFFFF9C00  }
0x1d: {  	[tilespmem:s4], [sflag:$0x1] =	stream.indirect.gather [hbm4b:s3+s8], $0x40, s2, s8, $0xb8;
	[tilespmem:$0x16400] =	vst v63  }
0x1e: {  	s7 =	simm.s32 $0x8400  }
0x1f: {  	[tilespmem:s7], [sflag:$0x2] =	stream.indirect.gather [hbm4b:s3+s8], $0x40, s8, s8, $0xb8;
	[tilespmem:$0x16400] =	vst v63  }
0x20: {  	s16 =	simm.s32 $0x100;
	s9 =	simm.s32 $0xA400  }
0x21: {  	[tilespmem:s9], [sflag:$0x3] =	stream.indirect.gather [hbm4b:s3+s8], $0x40, s16, s8, $0xb8;
	[tilespmem:$0x16400] =	vst v63  }
0x22: {  	s18 =	simm.s32 $0x180;
	s10 =	simm.s32 $0xC400  }
0x23: {  	[tilespmem:s10], [sflag:$0x4] =	stream.indirect.gather [hbm4b:s3+s8], $0x40, s18, s8, $0xb8;
	[tilespmem:$0x16400] =	vst v63  }
0x24: {  	s20 =	simm.s32 $0x200;
	s12 =	simm.s32 $0xE400;
	p0 =	por $0x1, $0x1  }
0x25: {  	[tilespmem:s12], [sflag:$0x5] =	stream.indirect.gather [hbm4b:s3+s8], $0x40, s20, s8, $0xb8;
	[tilespmem:$0x16400] =	vst v63  }
0x26: {  	s5 =	simm.s32 $0x280;
	p0 =	por p0, p0;
	s14 =	simm.s32 $0x10400  }
0x27: {  	[tilespmem:s14], [sflag:$0x6] =	stream.indirect.gather [hbm4b:s3+s8], $0x40, s5, s8, $0xb8;
	[tilespmem:$0x16400] =	vst v63  }
0x28: {  	s6 =	simm.s32 $0x300;
	s2 =	simm.s32 @!p0 $0x10;
	s16 =	simm.s32 $0x12400  }
0x29: {  	[tilespmem:s16], [sflag:$0x7] =	stream.indirect.gather [hbm4b:s3+s8], $0x40, s6, s8, $0xb8;
	[tilespmem:$0x16400] =	vst v63  }
0x2a: {  	_ =	swait.ge @!p0 [sflag:s2], $0x2000  }
0x2b: {  	[sflag:s2] =	ssyncset.done @!p0 $0x0  }
0x2c: {  	s18 =	simm.s32 $0x380;
	[sflag:s2] =	ssyncadd.s32 @!p0 $0xFFFFE000  }
0x2d: {  	[tilespmem:s21], [sflag:$0x8] =	stream.indirect.gather [hbm4b:s3+s8], $0x40, s18, s8, $0xb8;
	[tilespmem:$0x16400] =	vst v63  }
0x2e: {  	_ =	swait.ge [sflag:s22], $0x2000  }
0x2f: {  	s20 =	rddreg [dreg:$0x3]  }
0x30: {  	[sflag:s22] =	ssyncset.done $0x0;
	s6 =	rddreg [dreg:$0xb]  }
0x31: {  	[sflag:s22] =	ssyncadd.s32 $0xFFFFE000;
	s2 =	sadd.s32 s6, s20  }
0x32: {  	[hbm4b:s2+s23] =	stream.strided.scatter [tilespmem:s4], [sflag:$0x9], $0x2000, s8, s23, $0x38;
	[tilespmem:$0x16400] =	vst v63  }
0x33: {  	p0 =	por $0x0, $0x0;
	_ =	swait.ge [sflag:s24], $0x2000  }
0x34: {  	s5 =	simm.s32 @!p0 $0x400;
	[sflag:s24] =	ssyncset.done $0x0  }
0x35: {  	s4 =	simm.s32 @!p0 $0x6400;
	s2 =	simm.s32 @!p0 $0x80;
	[sflag:s24] =	ssyncadd.s32 $0xFFFFE000  }
0x36: {  	[tilespmem:s4], [sflag:$0x1] =	stream.indirect.gather @!p0 [hbm4b:s3+s2], $0x40, s5, s2, $0xb8;
	[tilespmem:$0x16400] =	vst v63  }
0x37: {  	_ =	swait.ge [sflag:s25], $0x2000  }
0x38: {  	s5 =	rddreg [dreg:$0x9];
	[sflag:s25] =	ssyncset.done $0x0  }
0x39: {  	[sflag:s25] =	ssyncadd.s32 $0xFFFFE000;
	s4 =	sadd.s32 s6, s5  }
0x3a: {  	[hbm4b:s4+s23] =	stream.strided.scatter [tilespmem:s7], [sflag:$0xA], $0x2000, s8, s23, $0x38;
	[tilespmem:$0x16400] =	vst v63  }
0x3b: {  	_ =	swait.ge [sflag:s26], $0x2000  }
0x3c: {  	[sflag:s26] =	ssyncset.done $0x0  }
0x3d: {  	s5 =	simm.s32 @!p0 $0x8400;
	s4 =	simm.s32 @!p0 $0x480;
	[sflag:s26] =	ssyncadd.s32 $0xFFFFE000  }
0x3e: {  	[tilespmem:s5], [sflag:$0x2] =	stream.indirect.gather @!p0 [hbm4b:s3+s2], $0x40, s4, s2, $0xb8;
	[tilespmem:$0x16400] =	vst v63  }
0x3f: {  	_ =	swait.ge [sflag:s28], $0x2000  }
0x40: {  	s7 =	rddreg [dreg:$0x8];
	[sflag:s28] =	ssyncset.done $0x0  }
0x41: {  	[sflag:s28] =	ssyncadd.s32 $0xFFFFE000;
	s4 =	sadd.s32 s6, s7  }
0x42: {  	[hbm4b:s4+s23] =	stream.strided.scatter [tilespmem:s9], [sflag:$0xB], $0x2000, s8, s23, $0x38;
	[tilespmem:$0x16400] =	vst v63  }
0x43: {  	_ =	swait.ge [sflag:s29], $0x2000  }
0x44: {  	[sflag:s29] =	ssyncset.done $0x0  }
0x45: {  	s5 =	simm.s32 @!p0 $0xA400;
	s4 =	simm.s32 @!p0 $0x500;
	[sflag:s29] =	ssyncadd.s32 $0xFFFFE000  }
0x46: {  	[tilespmem:s5], [sflag:$0x3] =	stream.indirect.gather @!p0 [hbm4b:s3+s2], $0x40, s4, s2, $0xb8;
	[tilespmem:$0x16400] =	vst v63  }
0x47: {  	_ =	swait.ge [sflag:s30], $0x2000  }
0x48: {  	s9 =	rddreg [dreg:$0x7];
	[sflag:s30] =	ssyncset.done $0x0  }
0x49: {  	[sflag:s30] =	ssyncadd.s32 $0xFFFFE000;
	s4 =	sadd.s32 s6, s9  }
0x4a: {  	[hbm4b:s4+s23] =	stream.strided.scatter [tilespmem:s10], [sflag:$0xC], $0x2000, s8, s23, $0x38;
	[tilespmem:$0x16400] =	vst v63  }
0x4b: {  	_ =	swait.ge [sflag:s31], $0x2000  }
0x4c: {  	[sflag:s31] =	ssyncset.done $0x0  }
0x4d: {  	s5 =	simm.s32 @!p0 $0xC400;
	s4 =	simm.s32 @!p0 $0x580;
	[sflag:s31] =	ssyncadd.s32 $0xFFFFE000  }
0x4e: {  	[tilespmem:s5], [sflag:$0x4] =	stream.indirect.gather @!p0 [hbm4b:s3+s2], $0x40, s4, s2, $0xb8;
	[tilespmem:$0x16400] =	vst v63  }
0x4f: {  	_ =	swait.ge [sflag:s1], $0x2000  }
0x50: {  	s10 =	rddreg [dreg:$0x6];
	[sflag:s1] =	ssyncset.done $0x0  }
0x51: {  	[sflag:s1] =	ssyncadd.s32 $0xFFFFE000;
	s4 =	sadd.s32 s6, s10  }
0x52: {  	[hbm4b:s4+s23] =	stream.strided.scatter [tilespmem:s12], [sflag:$0xD], $0x2000, s8, s23, $0x38;
	[tilespmem:$0x16400] =	vst v63  }
0x53: {  	_ =	swait.ge [sflag:s0], $0x2000  }
0x54: {  	[sflag:s0] =	ssyncset.done $0x0  }
0x55: {  	s5 =	simm.s32 @!p0 $0xE400;
	s4 =	simm.s32 @!p0 $0x600;
	[sflag:s0] =	ssyncadd.s32 $0xFFFFE000  }
0x56: {  	[tilespmem:s5], [sflag:$0x5] =	stream.indirect.gather @!p0 [hbm4b:s3+s2], $0x40, s4, s2, $0xb8;
	[tilespmem:$0x16400] =	vst v63  }
0x57: {  	_ =	swait.ge [sflag:s11], $0x2000  }
0x58: {  	s12 =	rddreg [dreg:$0x5];
	[sflag:s11] =	ssyncset.done $0x0  }
0x59: {  	[sflag:s11] =	ssyncadd.s32 $0xFFFFE000;
	s4 =	sadd.s32 s6, s12  }
0x5a: {  	[hbm4b:s4+s23] =	stream.strided.scatter [tilespmem:s14], [sflag:$0xE], $0x2000, s8, s23, $0x38;
	[tilespmem:$0x16400] =	vst v63  }
0x5b: {  	_ =	swait.ge [sflag:s13], $0x2000  }
0x5c: {  	[sflag:s13] =	ssyncset.done $0x0  }
0x5d: {  	s5 =	simm.s32 @!p0 $0x10400;
	s4 =	simm.s32 @!p0 $0x680;
	[sflag:s13] =	ssyncadd.s32 $0xFFFFE000  }
0x5e: {  	[tilespmem:s5], [sflag:$0x6] =	stream.indirect.gather @!p0 [hbm4b:s3+s2], $0x40, s4, s2, $0xb8;
	[tilespmem:$0x16400] =	vst v63  }
0x5f: {  	_ =	swait.ge [sflag:s15], $0x2000  }
0x60: {  	s18 =	rddreg [dreg:$0x4];
	[sflag:s15] =	ssyncset.done $0x0  }
0x61: {  	[sflag:s15] =	ssyncadd.s32 $0xFFFFE000;
	s4 =	sadd.s32 s6, s18  }
0x62: {  	[hbm4b:s4+s23] =	stream.strided.scatter [tilespmem:s16], [sflag:$0xF], $0x2000, s8, s23, $0x38;
	[tilespmem:$0x16400] =	vst v63  }
0x63: {  	_ =	swait.ge [sflag:s17], $0x2000  }
0x64: {  	p6 =	por $0x0, $0x0;
	[sflag:s17] =	ssyncset.done $0x0  }
0x65: {  	s5 =	simm.s32 @!p0 $0x12400;
	s4 =	simm.s32 @!p0 $0x700;
	[sflag:s17] =	ssyncadd.s32 $0xFFFFE000  }
0x66: {  	[tilespmem:s5], [sflag:$0x7] =	stream.indirect.gather @!p0 [hbm4b:s3+s2], $0x40, s4, s2, $0xb8;
	[tilespmem:$0x16400] =	vst v63  }
0x67: {  	s7 =	simm.s32 $0x1000;
	s2 =	simm.s32 $0x2000;
	_ =	swait.ge [sflag:s19], $0x2000  }
0x68: {  	p0 =	por p6, p6;
	s20 =	rddreg [dreg:$0xa];
	[sflag:s19] =	ssyncset.done $0x0  }
0x69: {  	[sflag:s19] =	ssyncadd.s32 $0xFFFFE000;
	s4 =	sadd.s32 s6, s20;
	s6 =	sadd.s32 $0x4000, s6  }
.LBB2_2:
0x6a: {  	[hbm4b:s4+s23] =	stream.strided.scatter [tilespmem:s21], [sflag:$0x10], $0x2000, s8, s23, $0x38;
	[tilespmem:$0x16400] =	vst v63  }
0x6b: {  	s4 =	simm.s32 @!p0 $0x10  }
0x6c: {  	_ =	swait.ge @!p0 [sflag:s4], $0x2000  }
0x6d: {  	s5 =	sshra.s32 s7, $0x2;
	[sflag:s4] =	ssyncset.done @!p0 $0x0  }
0x6e: {  	s9 =	sadd.s32 $0x380, s5;
	[sflag:s4] =	ssyncadd.s32 @!p0 $0xFFFFE000  }
0x6f: {  	[tilespmem:s21], [sflag:$0x8] =	stream.indirect.gather [hbm4b:s3+s8], $0x40, s9, s8, $0xb8;
	[tilespmem:$0x16400] =	vst v63  }
0x70: {  	s14 =	smov.u32 s2;
	_ =	swait.ge [sflag:s22], $0x2000  }
0x71: {  	s12 =	simm.s32 $0x6400;
	s10 =	rddreg [dreg:$0x3];
	[sflag:s22] =	ssyncset.done $0x0  }
0x72: {  	p2 =	seq.s32 s14, $0x0;
	[sflag:s22] =	ssyncadd.s32 $0xFFFFE000;
	s4 =	sadd.s32 s6, s10  }
0x73: {  	[hbm4b:s4+s23] =	stream.strided.scatter [tilespmem:s12], [sflag:$0x9], $0x2000, s8, s23, $0x38;
	[tilespmem:$0x16400] =	vst v63  }
0x74: {  	p0 =	por p2, p2;
	p2 =	seq.s32 s7, $0x18000;
	_ =	swait.ge [sflag:s24], $0x2000  }
0x75: {  	s5 =	simm.s32 @!p2 $0x80;
	s4 =	sshra.s32 @!p2 s7, $0x2;
	[sflag:s24] =	ssyncset.done $0x0  }
0x76: {  	s7 =	simm.s32 @!p2 $0x6400;
	s9 =	sadd.s32 @!p2 $0x400, s4;
	[sflag:s24] =	ssyncadd.s32 $0xFFFFE000  }
0x77: {  	[tilespmem:s7], [sflag:$0x1] =	stream.indirect.gather @!p2 [hbm4b:s3+s5], $0x40, s9, s5, $0xb8;
	[tilespmem:$0x16400] =	vst v63  }
0x78: {  	_ =	swait.ge [sflag:s25], $0x2000  }
0x79: {  	s7 =	smov.u32 s14;
	s20 =	rddreg [dreg:$0x9];
	[sflag:s25] =	ssyncset.done $0x0  }
0x7a: {  	[sflag:s25] =	ssyncadd.s32 $0xFFFFE000;
	s14 =	sadd.s32 s6, s20;
	s20 =	simm.s32 $0x8400  }
0x7b: {  	[hbm4b:s14+s23] =	stream.strided.scatter [tilespmem:s20], [sflag:$0xA], $0x2000, s8, s23, $0x38;
	[tilespmem:$0x16400] =	vst v63  }
0x7c: {  	_ =	swait.ge [sflag:s26], $0x2000  }
0x7d: {  	[sflag:s26] =	ssyncset.done $0x0  }
0x7e: {  	s16 =	sadd.s32 @!p2 $0x480, s4;
	s14 =	simm.s32 @!p2 $0x8400;
	[sflag:s26] =	ssyncadd.s32 $0xFFFFE000  }
0x7f: {  	[tilespmem:s14], [sflag:$0x2] =	stream.indirect.gather @!p2 [hbm4b:s3+s5], $0x40, s16, s5, $0xb8;
	[tilespmem:$0x16400] =	vst v63  }
0x80: {  	_ =	swait.ge [sflag:s28], $0x2000  }
0x81: {  	s16 =	rddreg [dreg:$0x8];
	[sflag:s28] =	ssyncset.done $0x0  }
0x82: {  	s20 =	simm.s32 $0xA400;
	[sflag:s28] =	ssyncadd.s32 $0xFFFFE000;
	s14 =	sadd.s32 s6, s16  }
0x83: {  	[hbm4b:s14+s23] =	stream.strided.scatter [tilespmem:s20], [sflag:$0xB], $0x2000, s8, s23, $0x38;
	[tilespmem:$0x16400] =	vst v63  }
0x84: {  	_ =	swait.ge [sflag:s29], $0x2000  }
0x85: {  	[sflag:s29] =	ssyncset.done $0x0  }
0x86: {  	s18 =	sadd.s32 @!p2 $0x500, s4;
	s14 =	simm.s32 @!p2 $0xA400;
	[sflag:s29] =	ssyncadd.s32 $0xFFFFE000  }
0x87: {  	[tilespmem:s14], [sflag:$0x3] =	stream.indirect.gather @!p2 [hbm4b:s3+s5], $0x40, s18, s5, $0xb8;
	[tilespmem:$0x16400] =	vst v63  }
0x88: {  	_ =	swait.ge [sflag:s30], $0x2000  }
0x89: {  	s18 =	rddreg [dreg:$0x7];
	[sflag:s30] =	ssyncset.done $0x0  }
0x8a: {  	s20 =	simm.s32 $0xC400;
	[sflag:s30] =	ssyncadd.s32 $0xFFFFE000;
	s14 =	sadd.s32 s6, s18  }
0x8b: {  	[hbm4b:s14+s23] =	stream.strided.scatter [tilespmem:s20], [sflag:$0xC], $0x2000, s8, s23, $0x38;
	[tilespmem:$0x16400] =	vst v63  }
0x8c: {  	_ =	swait.ge [sflag:s31], $0x2000  }
0x8d: {  	[sflag:s31] =	ssyncset.done $0x0  }
0x8e: {  	s12 =	sadd.s32 @!p2 $0x580, s4;
	s14 =	simm.s32 @!p2 $0xC400;
	[sflag:s31] =	ssyncadd.s32 $0xFFFFE000  }
0x8f: {  	[tilespmem:s14], [sflag:$0x4] =	stream.indirect.gather @!p2 [hbm4b:s3+s5], $0x40, s12, s5, $0xb8;
	[tilespmem:$0x16400] =	vst v63  }
0x90: {  	_ =	swait.ge [sflag:s1], $0x2000  }
0x91: {  	s18 =	rddreg [dreg:$0x6];
	[sflag:s1] =	ssyncset.done $0x0  }
0x92: {  	s20 =	simm.s32 $0xE400;
	[sflag:s1] =	ssyncadd.s32 $0xFFFFE000;
	s12 =	sadd.s32 s6, s18  }
0x93: {  	[hbm4b:s12+s23] =	stream.strided.scatter [tilespmem:s20], [sflag:$0xD], $0x2000, s8, s23, $0x38;
	[tilespmem:$0x16400] =	vst v63  }
0x94: {  	_ =	swait.ge [sflag:s0], $0x2000  }
0x95: {  	[sflag:s0] =	ssyncset.done $0x0  }
0x96: {  	s10 =	sadd.s32 @!p2 $0x600, s4;
	s12 =	simm.s32 @!p2 $0xE400;
	[sflag:s0] =	ssyncadd.s32 $0xFFFFE000  }
0x97: {  	[tilespmem:s12], [sflag:$0x5] =	stream.indirect.gather @!p2 [hbm4b:s3+s5], $0x40, s10, s5, $0xb8;
	[tilespmem:$0x16400] =	vst v63  }
0x98: {  	_ =	swait.ge [sflag:s11], $0x2000  }
0x99: {  	s12 =	rddreg [dreg:$0x5];
	[sflag:s11] =	ssyncset.done $0x0  }
0x9a: {  	s14 =	simm.s32 $0x10400;
	[sflag:s11] =	ssyncadd.s32 $0xFFFFE000;
	s10 =	sadd.s32 s6, s12  }
0x9b: {  	[hbm4b:s10+s23] =	stream.strided.scatter [tilespmem:s14], [sflag:$0xE], $0x2000, s8, s23, $0x38;
	[tilespmem:$0x16400] =	vst v63  }
0x9c: {  	_ =	swait.ge [sflag:s13], $0x2000  }
0x9d: {  	[sflag:s13] =	ssyncset.done $0x0  }
0x9e: {  	s9 =	sadd.s32 @!p2 $0x680, s4;
	s10 =	simm.s32 @!p2 $0x10400;
	[sflag:s13] =	ssyncadd.s32 $0xFFFFE000  }
0x9f: {  	[tilespmem:s10], [sflag:$0x6] =	stream.indirect.gather @!p2 [hbm4b:s3+s5], $0x40, s9, s5, $0xb8;
	[tilespmem:$0x16400] =	vst v63  }
0xa0: {  	_ =	swait.ge [sflag:s15], $0x2000  }
0xa1: {  	s16 =	rddreg [dreg:$0x4];
	[sflag:s15] =	ssyncset.done $0x0  }
0xa2: {  	s18 =	simm.s32 $0x12400;
	[sflag:s15] =	ssyncadd.s32 $0xFFFFE000;
	s9 =	sadd.s32 s6, s16  }
0xa3: {  	[hbm4b:s9+s23] =	stream.strided.scatter [tilespmem:s18], [sflag:$0xF], $0x2000, s8, s23, $0x38;
	[tilespmem:$0x16400] =	vst v63  }
0xa4: {  	s2 =	sadd.s32 $0x1000, s2;
	_ =	swait.ge [sflag:s17], $0x2000  }
0xa5: {  	p1 =	sne.s32 s2, $0x19000;
	s4 =	sadd.s32 @!p2 $0x700, s4;
	[sflag:s17] =	ssyncset.done $0x0  }
.Ltmp0:
0xa6: {  	s9 =	simm.s32 @!p2 $0x12400;
	[sflag:s17] =	ssyncadd.s32 $0xFFFFE000;
	(pc) =	sbr.rel @p1 .LBB2_2-.Ltmp0, $4  }
0xa7: {  	[tilespmem:s9], [sflag:$0x7] =	stream.indirect.gather @!p2 [hbm4b:s3+s5], $0x40, s4, s5, $0xb8;
	[tilespmem:$0x16400] =	vst v63  }
0xa8: {  	_ =	swait.ge [sflag:s19], $0x2000  }
0xa9: {  	[sflag:s19] =	ssyncset.done $0x0;
	s20 =	rddreg [dreg:$0xa]  }
0xaa: {  	[sflag:s19] =	ssyncadd.s32 $0xFFFFE000;
	s4 =	sadd.s32 s6, s20;
	s6 =	sadd.s32 $0x4000, s6  }
0xab: {  	[hbm4b:s4+s23] =	stream.strided.scatter [tilespmem:s21], [sflag:$0x10], $0x2000, s8, s23, $0x38;
	[tilespmem:$0x16400] =	vst v63  }
0xac: {  	s2 =	simm.s32 @!p0 $0x10  }
0xad: {  	_ =	swait.ge @!p0 [sflag:s2], $0x2000  }
0xae: {  	s18 =	sshra.s32 s7, $0x2;
	[sflag:s2] =	ssyncset.done @!p0 $0x0  }
0xaf: {  	s20 =	sadd.s32 $0x380, s18;
	[sflag:s2] =	ssyncadd.s32 @!p0 $0xFFFFE000  }
0xb0: {  	[tilespmem:s21], [sflag:$0x8] =	stream.indirect.gather [hbm4b:s3+s8], $0x40, s20, s8, $0xb8;
	[tilespmem:$0x16400] =	vst v63  }
0xb1: {  	_ =	swait.ge [sflag:s22], $0x2000  }
0xb2: {  	s4 =	rddreg [dreg:$0x3];
	[sflag:s22] =	ssyncset.done $0x0  }
0xb3: {  	s5 =	simm.s32 $0x6400;
	[sflag:s22] =	ssyncadd.s32 $0xFFFFE000;
	s2 =	sadd.s32 s6, s4  }
0xb4: {  	[hbm4b:s2+s23] =	stream.strided.scatter [tilespmem:s5], [sflag:$0x9], $0x2000, s8, s23, $0x38;
	[tilespmem:$0x16400] =	vst v63  }
0xb5: {  	p0 =	seq.s32 s7, $0x18000;
	_ =	swait.ge [sflag:s24], $0x2000  }
0xb6: {  	s4 =	simm.s32 @!p0 $0x80;
	s2 =	sshra.s32 @!p0 s7, $0x2;
	[sflag:s24] =	ssyncset.done $0x0  }
0xb7: {  	s5 =	simm.s32 @!p0 $0x6400;
	s7 =	sadd.s32 @!p0 $0x400, s2;
	[sflag:s24] =	ssyncadd.s32 $0xFFFFE000  }
0xb8: {  	[tilespmem:s5], [sflag:$0x1] =	stream.indirect.gather @!p0 [hbm4b:s3+s4], $0x40, s7, s4, $0xb8;
	[tilespmem:$0x16400] =	vst v63  }
0xb9: {  	_ =	swait.ge [sflag:s25], $0x2000  }
0xba: {  	s7 =	rddreg [dreg:$0x9];
	[sflag:s25] =	ssyncset.done $0x0  }
0xbb: {  	s9 =	simm.s32 $0x8400;
	[sflag:s25] =	ssyncadd.s32 $0xFFFFE000;
	s5 =	sadd.s32 s6, s7  }
0xbc: {  	[hbm4b:s5+s23] =	stream.strided.scatter [tilespmem:s9], [sflag:$0xA], $0x2000, s8, s23, $0x38;
	[tilespmem:$0x16400] =	vst v63  }
0xbd: {  	_ =	swait.ge [sflag:s26], $0x2000  }
0xbe: {  	[sflag:s26] =	ssyncset.done $0x0  }
0xbf: {  	s7 =	simm.s32 @!p0 $0x8400;
	s5 =	sadd.s32 @!p0 $0x480, s2;
	[sflag:s26] =	ssyncadd.s32 $0xFFFFE000  }
0xc0: {  	[tilespmem:s7], [sflag:$0x2] =	stream.indirect.gather @!p0 [hbm4b:s3+s4], $0x40, s5, s4, $0xb8;
	[tilespmem:$0x16400] =	vst v63  }
0xc1: {  	_ =	swait.ge [sflag:s28], $0x2000  }
0xc2: {  	s10 =	rddreg [dreg:$0x8];
	[sflag:s28] =	ssyncset.done $0x0  }
0xc3: {  	s12 =	simm.s32 $0xA400;
	[sflag:s28] =	ssyncadd.s32 $0xFFFFE000;
	s5 =	sadd.s32 s6, s10  }
0xc4: {  	[hbm4b:s5+s23] =	stream.strided.scatter [tilespmem:s12], [sflag:$0xB], $0x2000, s8, s23, $0x38;
	[tilespmem:$0x16400] =	vst v63  }
0xc5: {  	_ =	swait.ge [sflag:s29], $0x2000  }
0xc6: {  	[sflag:s29] =	ssyncset.done $0x0  }
0xc7: {  	s7 =	simm.s32 @!p0 $0xA400;
	s5 =	sadd.s32 @!p0 $0x500, s2;
	[sflag:s29] =	ssyncadd.s32 $0xFFFFE000  }
0xc8: {  	[tilespmem:s7], [sflag:$0x3] =	stream.indirect.gather @!p0 [hbm4b:s3+s4], $0x40, s5, s4, $0xb8;
	[tilespmem:$0x16400] =	vst v63  }
0xc9: {  	_ =	swait.ge [sflag:s30], $0x2000  }
0xca: {  	s14 =	rddreg [dreg:$0x7];
	[sflag:s30] =	ssyncset.done $0x0  }
0xcb: {  	s16 =	simm.s32 $0xC400;
	[sflag:s30] =	ssyncadd.s32 $0xFFFFE000;
	s5 =	sadd.s32 s6, s14  }
0xcc: {  	[hbm4b:s5+s23] =	stream.strided.scatter [tilespmem:s16], [sflag:$0xC], $0x2000, s8, s23, $0x38;
	[tilespmem:$0x16400] =	vst v63  }
0xcd: {  	_ =	swait.ge [sflag:s31], $0x2000  }
0xce: {  	[sflag:s31] =	ssyncset.done $0x0  }
0xcf: {  	s7 =	simm.s32 @!p0 $0xC400;
	s5 =	sadd.s32 @!p0 $0x580, s2;
	[sflag:s31] =	ssyncadd.s32 $0xFFFFE000  }
0xd0: {  	[tilespmem:s7], [sflag:$0x4] =	stream.indirect.gather @!p0 [hbm4b:s3+s4], $0x40, s5, s4, $0xb8;
	[tilespmem:$0x16400] =	vst v63  }
0xd1: {  	_ =	swait.ge [sflag:s1], $0x2000  }
0xd2: {  	s18 =	rddreg [dreg:$0x6];
	[sflag:s1] =	ssyncset.done $0x0  }
0xd3: {  	s20 =	simm.s32 $0xE400;
	[sflag:s1] =	ssyncadd.s32 $0xFFFFE000;
	s5 =	sadd.s32 s6, s18  }
0xd4: {  	[hbm4b:s5+s23] =	stream.strided.scatter [tilespmem:s20], [sflag:$0xD], $0x2000, s8, s23, $0x38;
	[tilespmem:$0x16400] =	vst v63  }
0xd5: {  	_ =	swait.ge [sflag:s0], $0x2000  }
0xd6: {  	[sflag:s0] =	ssyncset.done $0x0  }
0xd7: {  	s7 =	simm.s32 @!p0 $0xE400;
	s5 =	sadd.s32 @!p0 $0x600, s2;
	[sflag:s0] =	ssyncadd.s32 $0xFFFFE000  }
0xd8: {  	[tilespmem:s7], [sflag:$0x5] =	stream.indirect.gather @!p0 [hbm4b:s3+s4], $0x40, s5, s4, $0xb8;
	[tilespmem:$0x16400] =	vst v63  }
0xd9: {  	_ =	swait.ge [sflag:s11], $0x2000  }
0xda: {  	s7 =	rddreg [dreg:$0x5];
	[sflag:s11] =	ssyncset.done $0x0  }
0xdb: {  	s9 =	simm.s32 $0x10400;
	[sflag:s11] =	ssyncadd.s32 $0xFFFFE000;
	s5 =	sadd.s32 s6, s7  }
0xdc: {  	[hbm4b:s5+s23] =	stream.strided.scatter [tilespmem:s9], [sflag:$0xE], $0x2000, s8, s23, $0x38;
	[tilespmem:$0x16400] =	vst v63  }
0xdd: {  	_ =	swait.ge [sflag:s13], $0x2000  }
0xde: {  	[sflag:s13] =	ssyncset.done $0x0  }
0xdf: {  	s7 =	simm.s32 @!p0 $0x10400;
	s5 =	sadd.s32 @!p0 $0x680, s2;
	[sflag:s13] =	ssyncadd.s32 $0xFFFFE000  }
0xe0: {  	[tilespmem:s7], [sflag:$0x6] =	stream.indirect.gather @!p0 [hbm4b:s3+s4], $0x40, s5, s4, $0xb8;
	[tilespmem:$0x16400] =	vst v63  }
0xe1: {  	_ =	swait.ge [sflag:s15], $0x2000  }
0xe2: {  	s10 =	rddreg [dreg:$0x4];
	[sflag:s15] =	ssyncset.done $0x0  }
0xe3: {  	s12 =	simm.s32 $0x12400;
	[sflag:s15] =	ssyncadd.s32 $0xFFFFE000;
	s5 =	sadd.s32 s6, s10  }
0xe4: {  	[hbm4b:s5+s23] =	stream.strided.scatter [tilespmem:s12], [sflag:$0xF], $0x2000, s8, s23, $0x38;
	[tilespmem:$0x16400] =	vst v63  }
0xe5: {  	_ =	swait.ge [sflag:s17], $0x2000  }
0xe6: {  	[sflag:s17] =	ssyncset.done $0x0  }
0xe7: {  	s2 =	sadd.s32 @!p0 $0x700, s2;
	s5 =	simm.s32 @!p0 $0x12400;
	[sflag:s17] =	ssyncadd.s32 $0xFFFFE000  }
0xe8: {  	[tilespmem:s5], [sflag:$0x7] =	stream.indirect.gather @!p0 [hbm4b:s3+s4], $0x40, s2, s4, $0xb8;
	[tilespmem:$0x16400] =	vst v63  }
0xe9: {  	_ =	swait.ge [sflag:s19], $0x2000  }
0xea: {  	s14 =	rddreg [dreg:$0xa];
	[sflag:s19] =	ssyncset.done $0x0  }
0xeb: {  	s16 =	simm.s32 $0x10;
	s2 =	sadd.s32 s6, s14;
	[sflag:s19] =	ssyncadd.s32 $0xFFFFE000  }
0xec: {  	[hbm4b:s2+s23] =	stream.strided.scatter [tilespmem:s21], [sflag:$0x10], $0x2000, s8, s23, $0x38;
	[tilespmem:$0x16400] =	vst v63  }
0xed: {  	_ =	swait.ge [sflag:s16], $0x2000  }
0xee: {  	s18 =	rddreg [dreg:$0xe]  }
0xef: {  	s20 =	rddreg [dreg:$0xd];
	s5 =	sadd.s32 $0x1, s18  }
0xf0: {  	p0 =	sne.s32 s5, s20  }
.Ltmp1:
0xf1: {  	_ = 	snop;
	(pc) =	sbr.rel @p0 .LBB2_1-.Ltmp1, $3  }
0xf2: {  	_ =	sdelay $0x1  }
0xf3: {  	[sflag:s16] =	ssyncset.done $0x0  }
0xf4: {  	[sflag:s16] =	ssyncadd.s32 $0xFFFFE000  }
0xf5: {  	_ =	sfence.sel $0x180000  }
0xf6: {  	[bflag:$0x0] =	sbarrier.arrive $0xFFFF  }
0xf7: {  	_ =	strace $0x90000047  }
0xf8: {  	s0 =	stileid.u32;
	[bflag:$0x2] =	sbarrier.arrive $0xFFFF  }
0xf9: {  	p0 =	sne.s32 s0, $0x0;
	s0 =	rddreg [dreg:$0x2]  }
0xfa: {  	s0 =	sadd.s32 @!p0 $0x100000, s0  }
0xfb: {  	[sflag:s0] =	ssyncadd.tile.s32 @!p0 $0x1;
	_ =	shalt  }
.Lfunc_end2:
_tile_overlayer_lowered:
.L_overlay_start_2:
0xfc: {  	(tag) =	ssettag $0x2  }
0xfd: {  	s0 =	rddreg [dreg:$0x0];
	s2 =	stileid.u32  }
0xfe: {  	s1 =	rddreg [dreg:$0x1];
	p0 =	sne.s32 s2, $0x0  }
0xff: {  	s3 =	rddreg [dreg:$0x2];
	[bflag:$0x3] =	sbarrier.arrive $0xFFFF;
	s2 =	simm.s32 @!p0 $0x1C11  }
0x100: {  	[timem:s3], [sflag:s2] =	dma.local @!p0 [hbm:s0], s1  }
0x101: {  	s0 =	simm.s32 @!p0 $0x11  }
0x102: {  	_ =	swait.ge @!p0 [sflag:s0], s1  }
0x103: {  	s1 =	ssub.s32 @!p0 $0x0, s1;
	[sflag:s0] =	ssyncset.done @!p0 $0x0  }
0x104: {  	[sflag:s0] =	ssyncadd.s32 @!p0 s1  }
0x105: {  	[bflag:$0x3] =	sbarrier.arrive $0xFFFF  }
0x106: {  	_ =	shalt  }

// kernel: sparse-core-data-format-call.cloned.1.call-start
scs
called_computation_lowered:
.L_overlay_start_0:
0x0: {  	s2 =	sld [smem:$0x3FD9]  }
0x1: {  	s3 =	sld [smem:$0x3FFE];
	_ =	sdelay $0x1  }
0x2: {  	s1 =	srdreg.scid  }
0x3: {  	s0 =	sand.u32 $0x1, s1  }
0x4: {  	s18 =	sshll.u32 s0, $0xA;
	s2 =	sadd.s32 s3, s2  }
0x5: {  	s2 =	sadd.s32 s2, s18  }
0x6: {  	[smem:$0x3FC6] =	sst s2  }
0x7: {  	_ = 	snop  }
0x8: {  	s2 =	sld [smem:$0x3FD0];
	(tm) =	ssettm $0x1  }
0x9: {  	s19 =	sld [smem:$0x3FFB];
	_ =	sdelay $0x3  }
0xa: {  	_ =	strace s19  }
0xb: {  	s3 =	sld [smem:$0x3FFC];
	_ =	sdelay $0x3  }
0xc: {  	_ =	strace s3  }
0xd: {  	s3 =	sld [smem:$0x3FFD];
	_ =	sdelay $0x3  }
0xe: {  	_ =	strace s3  }
0xf: {  	_ =	strace $0x8FFFFFFF  }
0x10: {  	s20 =	sld [smem:$0x3FDB];
	_ =	sdelay $0x1  }
0x11: {  	s4 =	simm.s32 $_scs_section_size  }
0x12: {  	s5 =	simm.s32 $_size__tile_overlayer_lowered;
	s6 =	simm.s32 $_tile_overlayer_lowered  }
0x13: {  	s23 =	simm.s32 $0x1BFF;
	s22 =	sshll.u32 s6, $0x1;
	s3 =	sadd.s32 s4, s20  }
0x14: {  	s7 =	simm.s32 $0x0;
	s21 =	sshll.u32 s5, $0x1;
	s5 =	sadd.s32 s22, s3  }
0x15: {  	[timem:s7], [sflag:s23] =	dma.local [hbm:s5], s21  }
0x16: {  	_ =	swait.ge [sflag:s23], s21  }
0x17: {  	s4 =	ssub.s32 $0x0, s21;
	[sflag:s23] =	ssyncset.done $0x0  }
0x18: {  	[sflag:s23] =	ssyncadd.s32 s4;
	_ =	sdelay $0x1  }
0x19: {  	s24 =	simm.s32 $0x1B8B  }
0x1a: {  	_ =	swait.ge [sflag:s24], $0x1  }
0x1b: {  	[sflag:s24] =	ssyncset.done $0x0  }
0x1c: {  	s26 =	simm.s32 $0x1B8E;
	s25 =	sld [smem:$0x3FFE];
	[sflag:s24] =	ssyncadd.s32 $0xFFFFFFFF  }
0x1d: {  	s27 =	simm.s32 $execute0_lowered;
	[smem:$0x3FD2] =	sst s26  }
0x1e: {  	s5 =	sshll.u32 s27, $0x1;
	_ =	strace $0x80000049;
	[dreg:$0x1] =	wrdreg $0xFFFFFFFF  }
0x1f: {  	s28 =	simm.s32 $_size_execute0_lowered;
	s3 =	sadd.s32 s3, s5;
	[dreg:$0x0] =	wrdreg $0x0  }
0x20: {  	s5 =	sshll.u32 s28, $0x1;
	[dreg:$0x2] =	wrdreg s3  }
0x21: {  	[dreg:$0x3] =	wrdreg s5  }
0x22: {  	[dreg:$0x4] =	wrdreg $0xC0  }
0x23: {  	_ =	task [dreg:s7], $0x5FFFF  }
0x24: {  	[dreg:$0x1] =	wrdreg $0xFFFFFFFF  }
0x25: {  	[dreg:$0x0] =	wrdreg $0x60  }
0x26: {  	[dreg:$0x2] =	wrdreg s25  }
0x27: {  	[dreg:$0x3] =	wrdreg s2  }
0x28: {  	[dreg:$0x4] =	wrdreg $0x9  }
0x29: {  	_ =	task.clear_ibuf [dreg:s7], $0x5FFFF;
	_ =	strace $0x90000049  }
0x2a: {  	s29 =	simm.s32 $0x9;
	_ =	strace $0x8000004B  }
0x2b: {  	_ =	swait.ge [sflag:s29], $0x1  }
0x2c: {  	[sflag:s29] =	ssyncadd.s32 $0xFFFFFFFF  }
0x2d: {  	_ =	strace $0x9000004B  }
0x2e: {  	_ =	sfence  }
0x2f: {  	s30 =	sld [smem:$0x0];
	_ =	sdelay $0x2  }
0x30: {  	s31 =	sshll.u32 s1, $0xD;
	s1 =	sshrl.u32 s1, $0x2  }
0x31: {  	s3 =	sand.u32 $0x4000, s31;
	s1 =	sadd.s32 s1, s30  }
0x32: {  	s0 =	sor.u32 s3, s0;
	s1 =	sshll.u32 s1, $0x11  }
0x33: {  	s0 =	sor.u32 s1, s0  }
0x34: {  	s0 =	sadd.s32 $0x8F2B, s0  }
0x35: {  	[sflag:s0] =	ssyncadd.remote.s32 $0x1  }
0x36: {  	_ =	sfence.sel $0xFFFF  }
0x37: {  	[dreg:$0x0] =	wrdreg $0xFFFFFFFF;
	(pc) =	sbr.abs _section_cstart, $3  }
0x38: {  	[dreg:$0x1] =	wrdreg $0xFFFFFFFF  }
0x39: {  	_ =	task.clear_ibuf [dreg:s7], $0x2FFFF;
	_ =	strace $0x9FFFFFFF  }
0x3a: {  	(tm) =	ssettm $0x7FFFFFFF  }
0x3b: {  	_ =	shalt  }
tec
execute0_lowered:
.L_overlay_start_1:
0x0: {  	(tag) =	ssettag $0x1  }
0x1: {  	s0 =	srdreg.scid  }
0x2: {  	s1 =	sshll.u32 s0, $0x4  }
0x3: {  	s0 =	stileid.u32;
	s1 =	sand.u32 $0x10, s1  }
0x4: {  	s1 =	sor.u32 s0, s1  }
0x5: {  	s6 =	rddreg [dreg:$0x0];
	s4 =	simm.s32 $0x1;
	s2 =	sshll.u32 s1, $0x7  }
0x6: {  	s7 =	simm.s32 $0x2;
	s12 =	simm.s32 $0x0;
	s1 =	ssub.s32 $0x1000, s2  }
0x7: {  	s8 =	simm.s32 $0x8000;
	s13 =	simm.s32 $0x0;
	s3 =	sand.u32 $0xF80, s1  }
0x8: {  	s9 =	simm.s32 $0x0;
	s5 =	sshrl.u32 s1, $0xC;
	p0 =	sne.s32 s3, $0x0  }
.Ltmp0:
0x9: {  	s1 =	rddreg [dreg:$0x2];
	s4 =	simm.s32 @!p0 $0x0;
	(pc) =	sbr.rel .LBB1_1-.Ltmp0, $4  }
0xa: {  	s11 =	simm.s32 $0x0;
	s3 =	rddreg [dreg:$0x1];
	s5 =	sadd.s32 s4, s5  }
0xb: {  	_ =	strace $0x8000004A;
	s4 =	simm.s32 $0x1;
	s5 =	smul.u32 $0xC8, s5  }
0xc: {  	s6 =	sadd.s32 $0xA00, s6;
	s10 =	smov.u32 s2;
	[sflag:s4] =	ssyncpa.u1 $0x0  }
0xd: {  	p0 =	por $0x0, $0x0;
	[sflag:s7] =	ssyncpa.u1 $0x0;
	s7 =	sor.u32 $0x1, s5  }
.LBB1_4:
0xe: {  	s16 =	sshll.u32 s13, $0x3;
	s17 =	sand.u32 $0x78, s13  }
0xf: {  	s30 =	sand.u32 $0x7E00, s13;
	s12 =	sshll.u32 s12, $0xF;
	s16 =	sand.u32 $0xC00, s16  }
0x10: {  	[tilespmem:s15+$0x810 ss:$0x81] =	vst.msk $0xffff, v2;
	s31 =	sand.u32 $0x7, s13;
	s16 =	sor.u32 s17, s16;
	s17 =	sadd.s32 s3, s30  }
0x11: {  	[tilespmem:s15+$0x1020 ss:$0x81] =	vst.msk $0xffff, v0;
	s13 =	sshll.u32 s31, $0x12;
	s12 =	sadd.s32 s12, s17;
	s16 =	sshrl.u32 s16, $0x3  }
0x12: {  	[tilespmem:s15+$0x0 ss:$0x81] =	vst.msk $0xffff, v1;
	s13 =	sor.u32 $0x400, s13;
	s12 =	sadd.s32 s16, s12  }
0x13: {  	[hbm4b:s12+s13] =	stream.strided.scatter [tilespmem:s14], [sflag:$0x2], $0x2000, s8, s13, $0x20;
	[tilespmem:$0x8080] =	vst v63  }
.LBB1_5:
0x14: {  	s14 =	sadd.s32 $0x1, s9  }
0x15: {  	s12 =	sadd.s32 $0x1000, s10;
	s16 =	smov.u32 s10;
	p2 =	sgt.s32 s14, $0xC7  }
0x16: {  	s16 =	smov.u32 @p2 s12  }
0x17: {  	s14 =	simm.s32 @p2 $0x0;
	p2 =	sgt.s32 s16, $0xFFF  }
0x18: {  	s16 =	smov.u32 @p2 s2;
	p2 =	sne.s32 s11, s7  }
.Ltmp1:
0x19: {  	p1 =	slt.u32 s11, $0x2;
	(pc) =	sbr.rel @!p2 .LBB1_6-.Ltmp1, $4  }
0x1a: {  	s15 =	simm.s32 @!p1 $0x2  }
0x1b: {  	s13 =	smov.u32 s10;
	p0 =	por !p0, !p0;
	_ =	swait.ge @!p1 [sflag:s15], $0x2000  }
0x1c: {  	s12 =	smov.u32 s9;
	[sflag:s15] =	ssyncset.done @!p1 $0x0;
	s9 =	smov.u32 s14  }
0x1d: {  	s11 =	sadd.s32 $0x1, s11;
	[sflag:s15] =	ssyncadd.s32 @!p1 $0xFFFFE000;
	s10 =	smov.u32 s16  }
.LBB1_1:
0x1e: {  	p1 =	sge.u32 s11, s5  }
0x1f: {  	s14 =	sand.u32 @!p1 $0x1FFFFFF, s9  }
0x20: {  	s15 =	smulhi.u32 @!p1 $0x147AE15, s14;
	_ =	sdelay $0x1  }
0x21: {  	s15 =	smul.u32 @!p1 $0xC8, s15  }
0x22: {  	s16 =	sxor.u32 @!p1 $0xFFFFFFFF, s11;
	s17 =	smul.u32 @!p1 $0xC80, s10  }
0x23: {  	s31 =	sadd.s32 $0xFFFFFFFF, s11;
	s16 =	sshll.u32 @!p1 s16, $0xD;
	s14 =	ssub.s32 @!p1 s14, s15  }
0x24: {  	s15 =	sand.u32 @!p1 $0x2000, s16;
	s16 =	sadd.s32 @!p1 s6, s17;
	s14 =	sshll.u32 @!p1 s14, $0x4  }
0x25: {  	s17 =	simm.s32 @!p1 $0x6400;
	s14 =	sadd.s32 @!p1 s14, s16;
	s16 =	simm.s32 @!p1 $0x40  }
0x26: {  	[tilespmem:s15], [sflag:$0x1] =	stream.strided.gather @!p1 [hbm4b:s14+s16], $0x2000, s17, s16, $0x38;
	[tilespmem:$0x8080] =	vst v63  }
0x27: {  	p1 =	sge.u32 s31, s5  }
.Ltmp2:
0x28: {  	_ = 	snop;
	(pc) =	sbr.rel @p1 .LBB1_5-.Ltmp2, $1  }
0x29: {  	_ =	sdelay $0x3  }
0x2a: {  	s14 =	simm.s32 $0x1  }
0x2b: {  	_ =	swait.ge [sflag:s4], $0x2000;
	s14 =	simm.s32 @!p0 $0x0  }
0x2c: {  	[sflag:s4] =	ssyncset.done $0x0;
	s15 =	sshll.u32 s14, $0xD  }
0x2d: {  	[sflag:s4] =	ssyncadd.s32 $0xFFFFE000;
	s18 =	sor.u32 $0x20, s15  }
0x2e: {  	s14 =	smul.u32 $0x8100, s14;
	v3 =	vld [tilespmem:s18+$0x10]  }
0x2f: {  	s30 =	sand.u32 $0x1, s11;
	v2 =	vld [tilespmem:s18+$0xFFFFFFF0]  }
0x30: {  	s15 =	smul.u32 $0x8100, s30;
	s14 =	sshrl.u32 s14, $0x2;
	v0 =	vld [tilespmem:s18+$0x0]  }
0x31: {  	v1 =	vld [tilespmem:s18+$0xFFFFFFE0];
	s16 =	sor.u32 $0x4000, s14  }
0x32: {  	s31 =	sshrl.u32 s15, $0x2;
	s15 =	sadd.s32 $0x0, s16  }
0x33: {  	s17 =	simm.s32 $0x4;
	s18 =	sadd.s32 $0x40, s18;
	s14 =	sor.u32 $0x4000, s31;
	[tilespmem:s15+$0x1830 ss:$0x81] =	vst.msk $0xffff, v3  }
.LBB1_3:
0x34: {  	v3 =	vld [tilespmem:s18+$0x10];
	p1 =	sne.s32 s17, $0x1FC;
	[tilespmem:s15+$0x810 ss:$0x81] =	vst.msk $0xffff, v2;
	s19 =	smov.u32 s17;
	s17 =	sadd.s32 $0x4, s17  }
.Ltmp3:
0x35: {  	v2 =	vld [tilespmem:s18+$0xFFFFFFF0];
	[tilespmem:s15+$0x1020 ss:$0x81] =	vst.msk $0xffff, v0;
	(pc) =	sbr.rel @p1 .LBB1_3-.Ltmp3, $4  }
0x36: {  	v0 =	vld [tilespmem:s18+$0x0];
	[tilespmem:s15+$0x0 ss:$0x81] =	vst.msk $0xffff, v1  }
0x37: {  	s15 =	sshra.s32 s19, $0x2;
	v1 =	vld [tilespmem:s18+$0xFFFFFFE0]  }
0x38: {  	s15 =	sadd.s32 s15, s16  }
0x39: {  	s18 =	sadd.s32 $0x40, s18;
	[tilespmem:s15+$0x1830 ss:$0x81] =	vst.msk $0xffff, v3  }
.Ltmp4:
0x3a: {  	_ = 	snop;
	(pc) =	sbr.rel .LBB1_4-.Ltmp4, $1  }
0x3b: {  	_ =	sdelay $0x3  }
.LBB1_6:
0x3c: {  	_ =	sfence.sel $0x180000  }
0x3d: {  	s2 =	simm.s32 $0x1;
	[bflag:$0x0] =	sbarrier.arrive $0xFFFF  }
0x3e: {  	s31 =	simm.s32 $0x2;
	[sflag:s2] =	ssyncpa.u1 $0x1  }
0x3f: {  	[sflag:s31] =	ssyncpa.u1 $0x1  }
0x40: {  	p0 =	sne.s32 s0, $0x0;
	_ =	strace $0x9000004A  }
0x41: {  	s0 =	sadd.s32 @!p0 $0x100000, s1;
	[bflag:$0x2] =	sbarrier.arrive $0xFFFF  }
0x42: {  	[sflag:s0] =	ssyncadd.tile.s32 @!p0 $0x1;
	_ =	shalt  }
.Lfunc_end1:
_tile_overlayer_lowered:
.L_overlay_start_2:
0x43: {  	(tag) =	ssettag $0x2  }
0x44: {  	s0 =	rddreg [dreg:$0x0];
	s2 =	stileid.u32  }
0x45: {  	s1 =	rddreg [dreg:$0x1];
	p0 =	sne.s32 s2, $0x0  }
0x46: {  	s3 =	rddreg [dreg:$0x2];
	[bflag:$0x3] =	sbarrier.arrive $0xFFFF;
	s2 =	simm.s32 @!p0 $0x1C01  }
0x47: {  	[timem:s3], [sflag:s2] =	dma.local @!p0 [hbm:s0], s1  }
0x48: {  	s0 =	simm.s32 @!p0 $0x1  }
0x49: {  	_ =	swait.ge @!p0 [sflag:s0], s1  }
0x4a: {  	s1 =	ssub.s32 @!p0 $0x0, s1;
	[sflag:s0] =	ssyncset.done @!p0 $0x0  }
0x4b: {  	[sflag:s0] =	ssyncadd.s32 @!p0 s1  }
0x4c: {  	[bflag:$0x3] =	sbarrier.arrive $0xFFFF  }
0x4d: {  	_ =	shalt  }

</sc_bundles>
